<compile_context>
chip_gen: v7x
topology: tpu7x:2x2x1
jax: 0.10.2.dev20260603
libtpu: 0.0.44.dev20260713+nightly
codegen_flags: <defaults>
</compile_context>

<pallas_src>
import functools

import jax
import jax.numpy as jnp
from jax import lax
from jax.experimental import pallas as pl
from jax.experimental.pallas import tpu as pltpu
from jax.experimental.pallas import tpu_sc as plsc

_N, _E, _D, _HID, _G = 10000, 320000, 128, 128, 64
_NP = 10240
_NC, _NS = 2, 16
_NW = _NC * _NS
_EPW = _E // _NW
_CHUNK = 125
_NCH = _EPW // _CHUNK
_RPT = _NP // _NS
_HCH = _NCH // 2


def _sc_body(x_hbm, eidx_hbm,
             part_hbm, cnt_hbm,
             acc_sh, cnt_sh, idx_s, idx_d, rows_a, rows_b,
             ones, sem_a, sem_b, sem_c):
    c = lax.axis_index("c")
    s = lax.axis_index("s")
    w = c * _NS + s

    def zfill(r, carry):
        for k in range(_D // 16):
            rows_a[r, pl.ds(k * 16, 16)] = jnp.zeros((16,), jnp.float32)
        return carry

    lax.fori_loop(0, 128, zfill, 0)
    for q in range(_RPT // 128):
        pltpu.sync_copy(rows_a,
                        acc_sh.at[pl.ds(s * _RPT + q * 128, 128)])
        pltpu.sync_copy(rows_a.at[0],
                        cnt_sh.at[pl.ds(s * _RPT + q * 128, 128)])

    for j in range(8):
        ones[pl.ds(j * 16, 16)] = jnp.ones((16,), jnp.float32)

    plsc.subcore_barrier()

    def scatter(j, rows):
        pltpu.sync_copy(rows, acc_sh.at[idx_d.at[j]], add=True)
        pltpu.async_copy(ones.at[pl.ds(0, _CHUNK)], cnt_sh.at[idx_d.at[j]],
                        sem_c, add=True)

    def chunk(t, carry):
        j0 = 2 * t
        ra = rows_a.at[pl.ds(0, _CHUNK)]
        rb = rows_b.at[pl.ds(0, _CHUNK)]
        pltpu.make_async_copy(x_hbm.at[idx_s.at[j0]], ra, sem_a).wait()
        pltpu.async_copy(x_hbm.at[idx_s.at[j0 + 1]], rb, sem_b)
        scatter(j0, ra)
        pltpu.make_async_copy(x_hbm.at[idx_s.at[j0 + 1]], rb, sem_b).wait()

        @pl.when(t + 1 < _HCH // 2)
        def _():
            pltpu.async_copy(x_hbm.at[idx_s.at[j0 + 2]], ra, sem_a)

        scatter(j0 + 1, rb)
        return carry

    def drain_cnt(j, carry):
        pltpu.make_async_copy(ones.at[pl.ds(0, _CHUNK)],
                              cnt_sh.at[idx_d.at[0]], sem_c).wait()
        return carry

    for half in range(2):
        pltpu.sync_copy(eidx_hbm.at[0, w, pl.ds(half * _HCH, _HCH)], idx_s)
        pltpu.sync_copy(eidx_hbm.at[1, w, pl.ds(half * _HCH, _HCH)], idx_d)
        pltpu.async_copy(x_hbm.at[idx_s.at[0]], rows_a.at[pl.ds(0, _CHUNK)], sem_a)
        lax.fori_loop(0, _HCH // 2, chunk, 0)
        lax.fori_loop(0, _HCH, drain_cnt, 0)

    plsc.subcore_barrier()

    pltpu.sync_copy(acc_sh.at[pl.ds(s * _RPT, _RPT)],
                    part_hbm.at[c, pl.ds(s * _RPT, _RPT)])

    @pl.when(s == 0)
    def _():
        pltpu.sync_copy(cnt_sh, cnt_hbm.at[c])


@functools.lru_cache(maxsize=None)
def _get_sc_aggregate():
    return pl.kernel(
        _sc_body,
        out_type=(
            jax.ShapeDtypeStruct((_NC, _NP, _D), jnp.float32),
            jax.ShapeDtypeStruct((_NC, _NP), jnp.float32),
        ),
        mesh=plsc.VectorSubcoreMesh(core_axis_name="c", subcore_axis_name="s"),
        scratch_types=[
            pltpu.VMEM_SHARED((_NP, _D), jnp.float32),
            pltpu.VMEM_SHARED((_NP,), jnp.float32),
            pltpu.VMEM((_HCH, _CHUNK), jnp.int32),
            pltpu.VMEM((_HCH, _CHUNK), jnp.int32),
            pltpu.VMEM((128, _D), jnp.float32),
            pltpu.VMEM((128, _D), jnp.float32),
            pltpu.VMEM((128,), jnp.float32),
            pltpu.SemaphoreType.DMA,
            pltpu.SemaphoreType.DMA,
            pltpu.SemaphoreType.DMA,
        ],
    )


_R = 1024
_NB = _NP // _R


def _tc_body(part, cnt, x, bat, wl, bl, wr, w1, b1, w2, b2, out):
    i = pl.program_id(0)

    @pl.when(i == 0)
    def _():
        out[...] = jnp.full((_G, _D), -jnp.inf, jnp.float32)

    def matmul_t(a, b_ref):
        return lax.dot_general(a.astype(jnp.bfloat16),
                               b_ref[...].astype(jnp.bfloat16),
                               (((1,), (1,)), ((), ())),
                               preferred_element_type=jnp.float32)

    p = part[0] + part[1]
    c = jnp.maximum(cnt[0] + cnt[1], 1.0)
    mean = p / c[:, None]
    h = matmul_t(mean, wl) + bl[...] + matmul_t(x[...], wr)
    h = jnp.maximum(h, 0.0)
    h = matmul_t(h, w1) + b1[...]
    h = jnp.maximum(h, 0.0)
    h = matmul_t(h, w2) + b2[...]
    sig = jax.nn.sigmoid(h)

    bcol = bat[...]
    lo = bcol[0, 0]
    hi = jnp.minimum(bcol[_R - 1, 0], _G - 1)

    def pool(g, carry):
        vals = jnp.where(bcol == g, sig, -jnp.inf)
        red = jnp.max(vals, axis=0, keepdims=True)
        out[pl.ds(g, 1), :] = jnp.maximum(out[pl.ds(g, 1), :], red)
        return carry

    lax.fori_loop(lo, hi + 1, pool, 0)


def _tc_dense(part, cnt, x, bat3, wl_t, bl2, wr_t, w1_t, b12, w2_t, b22):
    return pl.pallas_call(
        _tc_body,
        grid=(_NB,),
        in_specs=[
            pl.BlockSpec((_NC, _R, _D), lambda i: (0, i, 0)),
            pl.BlockSpec((_NC, _R), lambda i: (0, i)),
            pl.BlockSpec((_R, _D), lambda i: (i, 0)),
            pl.BlockSpec((_R, 1), lambda i: (i, 0)),
            pl.BlockSpec((_D, _D), lambda i: (0, 0)),
            pl.BlockSpec((1, _D), lambda i: (0, 0)),
            pl.BlockSpec((_D, _D), lambda i: (0, 0)),
            pl.BlockSpec((512, _D), lambda i: (0, 0)),
            pl.BlockSpec((1, 512), lambda i: (0, 0)),
            pl.BlockSpec((_D, 512), lambda i: (0, 0)),
            pl.BlockSpec((1, _D), lambda i: (0, 0)),
        ],
        out_specs=pl.BlockSpec((_G, _D), lambda i: (0, 0)),
        out_shape=jax.ShapeDtypeStruct((_G, _D), jnp.float32),
    )(part, cnt, x, bat3, wl_t, bl2, wr_t, w1_t, b12, w2_t, b22)


def kernel(x, edge_index, batch, W_l, b_l, W_r, W1, b1, W2, b2):
    eidx = edge_index.reshape(2, _NW, _NCH, _CHUNK)
    part, cnt = _get_sc_aggregate()(x, eidx)
    out = _tc_dense(
        part, cnt, x,
        jnp.pad(batch, (0, _NP - _N), constant_values=_G)[:, None],
        W_l, b_l.reshape(1, _D),
        W_r, W1, b1.reshape(1, 512), W2, b2.reshape(1, _D),
    )
    return out

# --- scband reference (transcript-rebuilt; emitter-appended) ---
"""Pipeline reference for scband-gnn-31078383354651 (READ-ONLY COPY).

The authoritative reference and input builder live on the scoring server;
editing this copy changes nothing except your own understanding.
"""

import jax, jax.numpy as jnp
import numpy as np

N, E, D, HIDDEN, NUM_GRAPHS = 10000, 320000, 128, 128, 64


def setup_inputs(seed: int = 0) -> dict:
    key = jax.random.key(seed)
    ks = jax.random.split(key, 12)
    x = jax.random.normal(ks[0], (N, D), dtype=jnp.float32)
    edge_index = jax.random.randint(ks[1], (2, E), 0, N, dtype=jnp.int32)
    batch = jnp.sort(jax.random.randint(ks[2], (N,), 0, NUM_GRAPHS, dtype=jnp.int32))
    s = 1.0 / np.sqrt(D)
    # SAGEConv(input_dim=128, out=128): lin_l (on aggregated neighbors, with bias), lin_r (on root, no bias)
    W_l = jax.random.uniform(ks[3], (128, D), dtype=jnp.float32, minval=-s, maxval=s)
    b_l = jax.random.uniform(ks[4], (128,), dtype=jnp.float32, minval=-s, maxval=s)
    W_r = jax.random.uniform(ks[5], (128, D), dtype=jnp.float32, minval=-s, maxval=s)
    # FC: Linear(128, 512), Linear(512, hidden_dim=128)
    s1 = 1.0 / np.sqrt(128)
    W1 = jax.random.uniform(ks[6], (512, 128), dtype=jnp.float32, minval=-s1, maxval=s1)
    b1 = jax.random.uniform(ks[7], (512,), dtype=jnp.float32, minval=-s1, maxval=s1)
    s2 = 1.0 / np.sqrt(512)
    W2 = jax.random.uniform(ks[8], (HIDDEN, 512), dtype=jnp.float32, minval=-s2, maxval=s2)
    b2 = jax.random.uniform(ks[9], (HIDDEN,), dtype=jnp.float32, minval=-s2, maxval=s2)
    return {"x": x, "edge_index": edge_index, "batch": batch, "W_l": W_l, "b_l": b_l, "W_r": W_r, "W1": W1, "b1": b1, "W2": W2, "b2": b2}


def reference(x, edge_index, batch, W_l, b_l, W_r, W1, b1, W2, b2):
    src = edge_index[0]
    dst = edge_index[1]
    # SAGEConv with mean aggregation: gather source features, mean-reduce at destinations
    msg = jnp.take(x, src, axis=0)
    agg_sum = jax.ops.segment_sum(msg, dst, num_segments=x.shape[0])
    cnt = jax.ops.segment_sum(jnp.ones((src.shape[0],), dtype=x.dtype), dst, num_segments=x.shape[0])
    agg_mean = agg_sum / jnp.clip(cnt, 1.0, None)[:, None]
    h = agg_mean @ W_l.T + b_l + x @ W_r.T
    # FC head: ReLU -> Linear(128,512) -> ReLU -> Linear(512,hidden) -> Sigmoid
    h = jax.nn.relu(h)
    h = h @ W1.T + b1
    h = jax.nn.relu(h)
    h = h @ W2.T + b2
    h = jax.nn.sigmoid(h)
    # global_max_pool over batch assignment
    out = jax.ops.segment_max(h, batch, num_segments=NUM_GRAPHS)
    return out

if __name__ == "__main__":
    import jax
    _d = setup_inputs()
    print(jax.jit(kernel)(*tuple(_d.values())))

</pallas_src>

<mosaic_0001>
#map = affine_map<(d0, d1) -> (0, 0)>
#map1 = affine_map<(d0, d1) -> (0, 0, 0, 0)>
#map2 = affine_map<(d0, d1) -> (0, 0, 0)>
module attributes {stable_mosaic.version = 14 : i64} {
  func.func @_sc_body(%arg0: i32, %arg1: i32, %arg2: memref<10000x128xf32, #tpu.memory_space<hbm>>, %arg3: memref<2x32x80x125xi32, #tpu.memory_space<hbm>>, %arg4: memref<2x10240x128xf32, #tpu.memory_space<hbm>>, %arg5: memref<2x10240xf32, #tpu.memory_space<hbm>>, %arg6: memref<10240x128xf32, #tpu.memory_space<vmem_shared>>, %arg7: memref<10240xf32, #tpu.memory_space<vmem_shared>>, %arg8: memref<40x125xi32, #tpu.memory_space<vmem>>, %arg9: memref<40x125xi32, #tpu.memory_space<vmem>>, %arg10: memref<128x128xf32, #tpu.memory_space<vmem>>, %arg11: memref<128x128xf32, #tpu.memory_space<vmem>>, %arg12: memref<128xf32, #tpu.memory_space<vmem>>, %arg13: memref<!tpu.dma_semaphore, #tpu.memory_space<semaphore_mem>>, %arg14: memref<!tpu.dma_semaphore, #tpu.memory_space<semaphore_mem>>, %arg15: memref<!tpu.dma_semaphore, #tpu.memory_space<semaphore_mem>>) attributes {dimension_semantics = [#tpu.dimension_semantics<core_parallel>, #tpu.dimension_semantics<subcore_parallel>], iteration_bounds = array<i64: 2, 16>, scalar_prefetch = 0 : i64, scratch_operands = 10 : i64, tpu.core_type = #tpu.core_type<sc_vector_subcore>, window_params = [{transform_indices = #map}, {transform_indices = #map1}, {transform_indices = #map2}, {transform_indices = #map}]} {
    %mul3A = arith.constant 16 : i32
    %mul3A_0 = arith.muli %arg0, %mul3A : i32
    %add3A = arith.addi %mul3A_0, %arg1 : i32
    %scan3A = arith.constant 0 : i32
    %scan3A_1 = arith.constant 0 : i32
    %scan3A_2 = arith.constant 128 : i32
    %scan3A_3 = arith.addi %scan3A_1, %scan3A_2 : i32
    %scan3A_4 = arith.constant 1 : i32
    scf.for %scan3A_150 = %scan3A_1 to %scan3A_3 step %scan3A_4  : i32 {
      %broadcast_in_dim3A_151 = arith.constant 0.000000e+00 : f32
      %broadcast_in_dim3A_152 = vector.broadcast %broadcast_in_dim3A_151 : f32 to vector<16xf32>
      %swap3A_153 = arith.index_cast %scan3A_150 : i32 to index
      %swap3A_154 = arith.constant 0 : index
      %swap3A_155 = tpu.vector_load %arg10[%swap3A_153, %swap3A_154] {strides = array<i32>} : memref<128x128xf32, #tpu.memory_space<vmem>>, vector<1x16xf32>,
      %swap3A_156 = vector.shape_cast %swap3A_155 : vector<1x16xf32> to vector<16xf32>
      %swap3A_157 = vector.shape_cast %broadcast_in_dim3A_152 : vector<16xf32> to vector<1x16xf32>
      tpu.vector_store %arg10[%swap3A_153, %swap3A_154], %swap3A_157 {strides = array<i32>} : memref<128x128xf32, #tpu.memory_space<vmem>>, vector<1x16xf32>,
      %broadcast_in_dim3A_158 = arith.constant 0.000000e+00 : f32
      %broadcast_in_dim3A_159 = vector.broadcast %broadcast_in_dim3A_158 : f32 to vector<16xf32>
      %swap3A_160 = arith.index_cast %scan3A_150 : i32 to index
      %swap3A_161 = arith.constant 16 : index
      %swap3A_162 = tpu.vector_load %arg10[%swap3A_160, %swap3A_161] {strides = array<i32>} : memref<128x128xf32, #tpu.memory_space<vmem>>, vector<1x16xf32>,
      %swap3A_163 = vector.shape_cast %swap3A_162 : vector<1x16xf32> to vector<16xf32>
      %swap3A_164 = vector.shape_cast %broadcast_in_dim3A_159 : vector<16xf32> to vector<1x16xf32>
      tpu.vector_store %arg10[%swap3A_160, %swap3A_161], %swap3A_164 {strides = array<i32>} : memref<128x128xf32, #tpu.memory_space<vmem>>, vector<1x16xf32>,
      %broadcast_in_dim3A_165 = arith.constant 0.000000e+00 : f32
      %broadcast_in_dim3A_166 = vector.broadcast %broadcast_in_dim3A_165 : f32 to vector<16xf32>
      %swap3A_167 = arith.index_cast %scan3A_150 : i32 to index
      %swap3A_168 = arith.constant 32 : index
      %swap3A_169 = tpu.vector_load %arg10[%swap3A_167, %swap3A_168] {strides = array<i32>} : memref<128x128xf32, #tpu.memory_space<vmem>>, vector<1x16xf32>,
      %swap3A_170 = vector.shape_cast %swap3A_169 : vector<1x16xf32> to vector<16xf32>
      %swap3A_171 = vector.shape_cast %broadcast_in_dim3A_166 : vector<16xf32> to vector<1x16xf32>
      tpu.vector_store %arg10[%swap3A_167, %swap3A_168], %swap3A_171 {strides = array<i32>} : memref<128x128xf32, #tpu.memory_space<vmem>>, vector<1x16xf32>,
      %broadcast_in_dim3A_172 = arith.constant 0.000000e+00 : f32
      %broadcast_in_dim3A_173 = vector.broadcast %broadcast_in_dim3A_172 : f32 to vector<16xf32>
      %swap3A_174 = arith.index_cast %scan3A_150 : i32 to index
      %swap3A_175 = arith.constant 48 : index
      %swap3A_176 = tpu.vector_load %arg10[%swap3A_174, %swap3A_175] {strides = array<i32>} : memref<128x128xf32, #tpu.memory_space<vmem>>, vector<1x16xf32>,
      %swap3A_177 = vector.shape_cast %swap3A_176 : vector<1x16xf32> to vector<16xf32>
      %swap3A_178 = vector.shape_cast %broadcast_in_dim3A_173 : vector<16xf32> to vector<1x16xf32>
      tpu.vector_store %arg10[%swap3A_174, %swap3A_175], %swap3A_178 {strides = array<i32>} : memref<128x128xf32, #tpu.memory_space<vmem>>, vector<1x16xf32>,
      %broadcast_in_dim3A_179 = arith.constant 0.000000e+00 : f32
      %broadcast_in_dim3A_180 = vector.broadcast %broadcast_in_dim3A_179 : f32 to vector<16xf32>
      %swap3A_181 = arith.index_cast %scan3A_150 : i32 to index
      %swap3A_182 = arith.constant 64 : index
      %swap3A_183 = tpu.vector_load %arg10[%swap3A_181, %swap3A_182] {strides = array<i32>} : memref<128x128xf32, #tpu.memory_space<vmem>>, vector<1x16xf32>,
      %swap3A_184 = vector.shape_cast %swap3A_183 : vector<1x16xf32> to vector<16xf32>
      %swap3A_185 = vector.shape_cast %broadcast_in_dim3A_180 : vector<16xf32> to vector<1x16xf32>
      tpu.vector_store %arg10[%swap3A_181, %swap3A_182], %swap3A_185 {strides = array<i32>} : memref<128x128xf32, #tpu.memory_space<vmem>>, vector<1x16xf32>,
      %broadcast_in_dim3A_186 = arith.constant 0.000000e+00 : f32
      %broadcast_in_dim3A_187 = vector.broadcast %broadcast_in_dim3A_186 : f32 to vector<16xf32>
      %swap3A_188 = arith.index_cast %scan3A_150 : i32 to index
      %swap3A_189 = arith.constant 80 : index
      %swap3A_190 = tpu.vector_load %arg10[%swap3A_188, %swap3A_189] {strides = array<i32>} : memref<128x128xf32, #tpu.memory_space<vmem>>, vector<1x16xf32>,
      %swap3A_191 = vector.shape_cast %swap3A_190 : vector<1x16xf32> to vector<16xf32>
      %swap3A_192 = vector.shape_cast %broadcast_in_dim3A_187 : vector<16xf32> to vector<1x16xf32>
      tpu.vector_store %arg10[%swap3A_188, %swap3A_189], %swap3A_192 {strides = array<i32>} : memref<128x128xf32, #tpu.memory_space<vmem>>, vector<1x16xf32>,
      %broadcast_in_dim3A_193 = arith.constant 0.000000e+00 : f32
      %broadcast_in_dim3A_194 = vector.broadcast %broadcast_in_dim3A_193 : f32 to vector<16xf32>
      %swap3A_195 = arith.index_cast %scan3A_150 : i32 to index
      %swap3A_196 = arith.constant 96 : index
      %swap3A_197 = tpu.vector_load %arg10[%swap3A_195, %swap3A_196] {strides = array<i32>} : memref<128x128xf32, #tpu.memory_space<vmem>>, vector<1x16xf32>,
      %swap3A_198 = vector.shape_cast %swap3A_197 : vector<1x16xf32> to vector<16xf32>
      %swap3A_199 = vector.shape_cast %broadcast_in_dim3A_194 : vector<16xf32> to vector<1x16xf32>
      tpu.vector_store %arg10[%swap3A_195, %swap3A_196], %swap3A_199 {strides = array<i32>} : memref<128x128xf32, #tpu.memory_space<vmem>>, vector<1x16xf32>,
      %broadcast_in_dim3A_200 = arith.constant 0.000000e+00 : f32
      %broadcast_in_dim3A_201 = vector.broadcast %broadcast_in_dim3A_200 : f32 to vector<16xf32>
      %swap3A_202 = arith.index_cast %scan3A_150 : i32 to index
      %swap3A_203 = arith.constant 112 : index
      %swap3A_204 = tpu.vector_load %arg10[%swap3A_202, %swap3A_203] {strides = array<i32>} : memref<128x128xf32, #tpu.memory_space<vmem>>, vector<1x16xf32>,
      %swap3A_205 = vector.shape_cast %swap3A_204 : vector<1x16xf32> to vector<16xf32>
      %swap3A_206 = vector.shape_cast %broadcast_in_dim3A_201 : vector<16xf32> to vector<1x16xf32>
      tpu.vector_store %arg10[%swap3A_202, %swap3A_203], %swap3A_206 {strides = array<i32>} : memref<128x128xf32, #tpu.memory_space<vmem>>, vector<1x16xf32>,
    }
    %scan3A_5 = arith.constant 128 : i32
    %mul3A_6 = arith.constant 640 : i32
    %mul3A_7 = arith.muli %arg1, %mul3A_6 : i32
    %add3A_8 = arith.constant 0 : i32
    %add3A_9 = arith.addi %mul3A_7, %add3A_8 : i32
    "tpu.region"() ({
      %run_scoped3A_150 = tpu.sem_alloc : memref<!tpu.dma_semaphore, #tpu.memory_space<semaphore_mem>>
      %dma_start3A_151 = arith.constant 0 : i32
      %dma_start3A_152 = tpu.memref_slice %arg6[%add3A_9, %dma_start3A_151] : memref<10240x128xf32, #tpu.memory_space<vmem_shared>> -> memref<128x128xf32, #tpu.memory_space<vmem_shared>>
      %dma_start3A_153 = arith.constant 0 : i32
      %dma_start3A_154 = tpu.memref_slice %arg6[%add3A_9, %dma_start3A_153] : memref<10240x128xf32, #tpu.memory_space<vmem_shared>> -> memref<128x128xf32, #tpu.memory_space<vmem_shared>>
      tpu.enqueue_dma source(%arg10 : memref<128x128xf32, #tpu.memory_space<vmem>>) target(%dma_start3A_154 : memref<128x128xf32, #tpu.memory_space<vmem_shared>>) target_semaphore(%run_scoped3A_150 : memref<!tpu.dma_semaphore, #tpu.memory_space<semaphore_mem>>)
      %dma_wait3A = arith.constant 0 : i32
      %dma_wait3A_155 = tpu.memref_slice %arg6[%add3A_9, %dma_wait3A] : memref<10240x128xf32, #tpu.memory_space<vmem_shared>> -> memref<128x128xf32, #tpu.memory_space<vmem_shared>>
      %dma_wait3A_156 = arith.constant 0 : i32
      %dma_wait3A_157 = tpu.memref_slice %arg6[%add3A_9, %dma_wait3A_156] : memref<10240x128xf32, #tpu.memory_space<vmem_shared>> -> memref<128x128xf32, #tpu.memory_space<vmem_shared>>
      tpu.wait_dma2 semaphore(%run_scoped3A_150 : memref<!tpu.dma_semaphore, #tpu.memory_space<semaphore_mem>>) src(%arg10 : memref<128x128xf32, #tpu.memory_space<vmem>>) dst(%dma_wait3A_157 : memref<128x128xf32, #tpu.memory_space<vmem_shared>>)
      tpu.yield
    }) : () -> ()
    %mul3A_10 = arith.constant 640 : i32
    %mul3A_11 = arith.muli %arg1, %mul3A_10 : i32
    %add3A_12 = arith.constant 0 : i32
    %add3A_13 = arith.addi %mul3A_11, %add3A_12 : i32
    %run_scoped3A = arith.constant 0 : i32
    "tpu.region"() ({
      %run_scoped3A_150 = tpu.sem_alloc : memref<!tpu.dma_semaphore, #tpu.memory_space<semaphore_mem>>
      %dma_start3A_151 = arith.constant 0 : i32
      %dma_start3A_152 = tpu.memref_slice %arg10[%run_scoped3A, %dma_start3A_151] : memref<128x128xf32, #tpu.memory_space<vmem>> -> memref<1x128xf32, #tpu.memory_space<vmem>>
      %dma_start3A_153 = tpu.memref_squeeze %dma_start3A_152 : memref<1x128xf32, #tpu.memory_space<vmem>> -> memref<128xf32, #tpu.memory_space<vmem>>
      %dma_start3A_154 = tpu.memref_slice %arg7[%add3A_13] : memref<10240xf32, #tpu.memory_space<vmem_shared>> -> memref<128xf32, #tpu.memory_space<vmem_shared>>
      %dma_start3A_155 = tpu.memref_slice %arg7[%add3A_13] : memref<10240xf32, #tpu.memory_space<vmem_shared>> -> memref<128xf32, #tpu.memory_space<vmem_shared>>
      %dma_start3A_156 = arith.constant 0 : i32
      %dma_start3A_157 = tpu.memref_slice %arg10[%run_scoped3A, %dma_start3A_156] : memref<128x128xf32, #tpu.memory_space<vmem>> -> memref<1x128xf32, #tpu.memory_space<vmem>>
      %dma_start3A_158 = tpu.memref_squeeze %dma_start3A_157 : memref<1x128xf32, #tpu.memory_space<vmem>> -> memref<128xf32, #tpu.memory_space<vmem>>
      tpu.enqueue_dma source(%dma_start3A_158 : memref<128xf32, #tpu.memory_space<vmem>>) target(%dma_start3A_155 : memref<128xf32, #tpu.memory_space<vmem_shared>>) target_semaphore(%run_scoped3A_150 : memref<!tpu.dma_semaphore, #tpu.memory_space<semaphore_mem>>)
      %dma_wait3A = arith.constant 0 : i32
      %dma_wait3A_159 = tpu.memref_slice %arg10[%run_scoped3A, %dma_wait3A] : memref<128x128xf32, #tpu.memory_space<vmem>> -> memref<1x128xf32, #tpu.memory_space<vmem>>
      %dma_wait3A_160 = tpu.memref_squeeze %dma_wait3A_159 : memref<1x128xf32, #tpu.memory_space<vmem>> -> memref<128xf32, #tpu.memory_space<vmem>>
      %dma_wait3A_161 = tpu.memref_slice %arg7[%add3A_13] : memref<10240xf32, #tpu.memory_space<vmem_shared>> -> memref<128xf32, #tpu.memory_space<vmem_shared>>
      %dma_wait3A_162 = tpu.memref_slice %arg7[%add3A_13] : memref<10240xf32, #tpu.memory_space<vmem_shared>> -> memref<128xf32, #tpu.memory_space<vmem_shared>>
      %dma_wait3A_163 = arith.constant 0 : i32
      %dma_wait3A_164 = tpu.memref_slice %arg10[%run_scoped3A, %dma_wait3A_163] : memref<128x128xf32, #tpu.memory_space<vmem>> -> memref<1x128xf32, #tpu.memory_space<vmem>>
      %dma_wait3A_165 = tpu.memref_squeeze %dma_wait3A_164 : memref<1x128xf32, #tpu.memory_space<vmem>> -> memref<128xf32, #tpu.memory_space<vmem>>
      tpu.wait_dma2 semaphore(%run_scoped3A_150 : memref<!tpu.dma_semaphore, #tpu.memory_space<semaphore_mem>>) src(%dma_wait3A_165 : memref<128xf32, #tpu.memory_space<vmem>>) dst(%dma_wait3A_162 : memref<128xf32, #tpu.memory_space<vmem_shared>>)
      tpu.yield
    }) : () -> ()
    %mul3A_14 = arith.constant 640 : i32
    %mul3A_15 = arith.muli %arg1, %mul3A_14 : i32
    %add3A_16 = arith.constant 128 : i32
    %add3A_17 = arith.addi %mul3A_15, %add3A_16 : i32
    "tpu.region"() ({
      %run_scoped3A_150 = tpu.sem_alloc : memref<!tpu.dma_semaphore, #tpu.memory_space<semaphore_mem>>
      %dma_start3A_151 = arith.constant 0 : i32
      %dma_start3A_152 = tpu.memref_slice %arg6[%add3A_17, %dma_start3A_151] : memref<10240x128xf32, #tpu.memory_space<vmem_shared>> -> memref<128x128xf32, #tpu.memory_space<vmem_shared>>
      %dma_start3A_153 = arith.constant 0 : i32
      %dma_start3A_154 = tpu.memref_slice %arg6[%add3A_17, %dma_start3A_153] : memref<10240x128xf32, #tpu.memory_space<vmem_shared>> -> memref<128x128xf32, #tpu.memory_space<vmem_shared>>
      tpu.enqueue_dma source(%arg10 : memref<128x128xf32, #tpu.memory_space<vmem>>) target(%dma_start3A_154 : memref<128x128xf32, #tpu.memory_space<vmem_shared>>) target_semaphore(%run_scoped3A_150 : memref<!tpu.dma_semaphore, #tpu.memory_space<semaphore_mem>>)
      %dma_wait3A = arith.constant 0 : i32
      %dma_wait3A_155 = tpu.memref_slice %arg6[%add3A_17, %dma_wait3A] : memref<10240x128xf32, #tpu.memory_space<vmem_shared>> -> memref<128x128xf32, #tpu.memory_space<vmem_shared>>
      %dma_wait3A_156 = arith.constant 0 : i32
      %dma_wait3A_157 = tpu.memref_slice %arg6[%add3A_17, %dma_wait3A_156] : memref<10240x128xf32, #tpu.memory_space<vmem_shared>> -> memref<128x128xf32, #tpu.memory_space<vmem_shared>>
      tpu.wait_dma2 semaphore(%run_scoped3A_150 : memref<!tpu.dma_semaphore, #tpu.memory_space<semaphore_mem>>) src(%arg10 : memref<128x128xf32, #tpu.memory_space<vmem>>) dst(%dma_wait3A_157 : memref<128x128xf32, #tpu.memory_space<vmem_shared>>)
      tpu.yield
    }) : () -> ()
    %mul3A_18 = arith.constant 640 : i32
    %mul3A_19 = arith.muli %arg1, %mul3A_18 : i32
    %add3A_20 = arith.constant 128 : i32
    %add3A_21 = arith.addi %mul3A_19, %add3A_20 : i32
    %run_scoped3A_22 = arith.constant 0 : i32
    "tpu.region"() ({
      %run_scoped3A_150 = tpu.sem_alloc : memref<!tpu.dma_semaphore, #tpu.memory_space<semaphore_mem>>
      %dma_start3A_151 = arith.constant 0 : i32
      %dma_start3A_152 = tpu.memref_slice %arg10[%run_scoped3A_22, %dma_start3A_151] : memref<128x128xf32, #tpu.memory_space<vmem>> -> memref<1x128xf32, #tpu.memory_space<vmem>>
      %dma_start3A_153 = tpu.memref_squeeze %dma_start3A_152 : memref<1x128xf32, #tpu.memory_space<vmem>> -> memref<128xf32, #tpu.memory_space<vmem>>
      %dma_start3A_154 = tpu.memref_slice %arg7[%add3A_21] : memref<10240xf32, #tpu.memory_space<vmem_shared>> -> memref<128xf32, #tpu.memory_space<vmem_shared>>
      %dma_start3A_155 = tpu.memref_slice %arg7[%add3A_21] : memref<10240xf32, #tpu.memory_space<vmem_shared>> -> memref<128xf32, #tpu.memory_space<vmem_shared>>
      %dma_start3A_156 = arith.constant 0 : i32
      %dma_start3A_157 = tpu.memref_slice %arg10[%run_scoped3A_22, %dma_start3A_156] : memref<128x128xf32, #tpu.memory_space<vmem>> -> memref<1x128xf32, #tpu.memory_space<vmem>>
      %dma_start3A_158 = tpu.memref_squeeze %dma_start3A_157 : memref<1x128xf32, #tpu.memory_space<vmem>> -> memref<128xf32, #tpu.memory_space<vmem>>
      tpu.enqueue_dma source(%dma_start3A_158 : memref<128xf32, #tpu.memory_space<vmem>>) target(%dma_start3A_155 : memref<128xf32, #tpu.memory_space<vmem_shared>>) target_semaphore(%run_scoped3A_150 : memref<!tpu.dma_semaphore, #tpu.memory_space<semaphore_mem>>)
      %dma_wait3A = arith.constant 0 : i32
      %dma_wait3A_159 = tpu.memref_slice %arg10[%run_scoped3A_22, %dma_wait3A] : memref<128x128xf32, #tpu.memory_space<vmem>> -> memref<1x128xf32, #tpu.memory_space<vmem>>
      %dma_wait3A_160 = tpu.memref_squeeze %dma_wait3A_159 : memref<1x128xf32, #tpu.memory_space<vmem>> -> memref<128xf32, #tpu.memory_space<vmem>>
      %dma_wait3A_161 = tpu.memref_slice %arg7[%add3A_21] : memref<10240xf32, #tpu.memory_space<vmem_shared>> -> memref<128xf32, #tpu.memory_space<vmem_shared>>
      %dma_wait3A_162 = tpu.memref_slice %arg7[%add3A_21] : memref<10240xf32, #tpu.memory_space<vmem_shared>> -> memref<128xf32, #tpu.memory_space<vmem_shared>>
      %dma_wait3A_163 = arith.constant 0 : i32
      %dma_wait3A_164 = tpu.memref_slice %arg10[%run_scoped3A_22, %dma_wait3A_163] : memref<128x128xf32, #tpu.memory_space<vmem>> -> memref<1x128xf32, #tpu.memory_space<vmem>>
      %dma_wait3A_165 = tpu.memref_squeeze %dma_wait3A_164 : memref<1x128xf32, #tpu.memory_space<vmem>> -> memref<128xf32, #tpu.memory_space<vmem>>
      tpu.wait_dma2 semaphore(%run_scoped3A_150 : memref<!tpu.dma_semaphore, #tpu.memory_space<semaphore_mem>>) src(%dma_wait3A_165 : memref<128xf32, #tpu.memory_space<vmem>>) dst(%dma_wait3A_162 : memref<128xf32, #tpu.memory_space<vmem_shared>>)
      tpu.yield
    }) : () -> ()
    %mul3A_23 = arith.constant 640 : i32
    %mul3A_24 = arith.muli %arg1, %mul3A_23 : i32
    %add3A_25 = arith.constant 256 : i32
    %add3A_26 = arith.addi %mul3A_24, %add3A_25 : i32
    "tpu.region"() ({
      %run_scoped3A_150 = tpu.sem_alloc : memref<!tpu.dma_semaphore, #tpu.memory_space<semaphore_mem>>
      %dma_start3A_151 = arith.constant 0 : i32
      %dma_start3A_152 = tpu.memref_slice %arg6[%add3A_26, %dma_start3A_151] : memref<10240x128xf32, #tpu.memory_space<vmem_shared>> -> memref<128x128xf32, #tpu.memory_space<vmem_shared>>
      %dma_start3A_153 = arith.constant 0 : i32
      %dma_start3A_154 = tpu.memref_slice %arg6[%add3A_26, %dma_start3A_153] : memref<10240x128xf32, #tpu.memory_space<vmem_shared>> -> memref<128x128xf32, #tpu.memory_space<vmem_shared>>
      tpu.enqueue_dma source(%arg10 : memref<128x128xf32, #tpu.memory_space<vmem>>) target(%dma_start3A_154 : memref<128x128xf32, #tpu.memory_space<vmem_shared>>) target_semaphore(%run_scoped3A_150 : memref<!tpu.dma_semaphore, #tpu.memory_space<semaphore_mem>>)
      %dma_wait3A = arith.constant 0 : i32
      %dma_wait3A_155 = tpu.memref_slice %arg6[%add3A_26, %dma_wait3A] : memref<10240x128xf32, #tpu.memory_space<vmem_shared>> -> memref<128x128xf32, #tpu.memory_space<vmem_shared>>
      %dma_wait3A_156 = arith.constant 0 : i32
      %dma_wait3A_157 = tpu.memref_slice %arg6[%add3A_26, %dma_wait3A_156] : memref<10240x128xf32, #tpu.memory_space<vmem_shared>> -> memref<128x128xf32, #tpu.memory_space<vmem_shared>>
      tpu.wait_dma2 semaphore(%run_scoped3A_150 : memref<!tpu.dma_semaphore, #tpu.memory_space<semaphore_mem>>) src(%arg10 : memref<128x128xf32, #tpu.memory_space<vmem>>) dst(%dma_wait3A_157 : memref<128x128xf32, #tpu.memory_space<vmem_shared>>)
      tpu.yield
    }) : () -> ()
    %mul3A_27 = arith.constant 640 : i32
    %mul3A_28 = arith.muli %arg1, %mul3A_27 : i32
    %add3A_29 = arith.constant 256 : i32
    %add3A_30 = arith.addi %mul3A_28, %add3A_29 : i32
    %run_scoped3A_31 = arith.constant 0 : i32
    "tpu.region"() ({
      %run_scoped3A_150 = tpu.sem_alloc : memref<!tpu.dma_semaphore, #tpu.memory_space<semaphore_mem>>
      %dma_start3A_151 = arith.constant 0 : i32
      %dma_start3A_152 = tpu.memref_slice %arg10[%run_scoped3A_31, %dma_start3A_151] : memref<128x128xf32, #tpu.memory_space<vmem>> -> memref<1x128xf32, #tpu.memory_space<vmem>>
      %dma_start3A_153 = tpu.memref_squeeze %dma_start3A_152 : memref<1x128xf32, #tpu.memory_space<vmem>> -> memref<128xf32, #tpu.memory_space<vmem>>
      %dma_start3A_154 = tpu.memref_slice %arg7[%add3A_30] : memref<10240xf32, #tpu.memory_space<vmem_shared>> -> memref<128xf32, #tpu.memory_space<vmem_shared>>
      %dma_start3A_155 = tpu.memref_slice %arg7[%add3A_30] : memref<10240xf32, #tpu.memory_space<vmem_shared>> -> memref<128xf32, #tpu.memory_space<vmem_shared>>
      %dma_start3A_156 = arith.constant 0 : i32
      %dma_start3A_157 = tpu.memref_slice %arg10[%run_scoped3A_31, %dma_start3A_156] : memref<128x128xf32, #tpu.memory_space<vmem>> -> memref<1x128xf32, #tpu.memory_space<vmem>>
      %dma_start3A_158 = tpu.memref_squeeze %dma_start3A_157 : memref<1x128xf32, #tpu.memory_space<vmem>> -> memref<128xf32, #tpu.memory_space<vmem>>
      tpu.enqueue_dma source(%dma_start3A_158 : memref<128xf32, #tpu.memory_space<vmem>>) target(%dma_start3A_155 : memref<128xf32, #tpu.memory_space<vmem_shared>>) target_semaphore(%run_scoped3A_150 : memref<!tpu.dma_semaphore, #tpu.memory_space<semaphore_mem>>)
      %dma_wait3A = arith.constant 0 : i32
      %dma_wait3A_159 = tpu.memref_slice %arg10[%run_scoped3A_31, %dma_wait3A] : memref<128x128xf32, #tpu.memory_space<vmem>> -> memref<1x128xf32, #tpu.memory_space<vmem>>
      %dma_wait3A_160 = tpu.memref_squeeze %dma_wait3A_159 : memref<1x128xf32, #tpu.memory_space<vmem>> -> memref<128xf32, #tpu.memory_space<vmem>>
      %dma_wait3A_161 = tpu.memref_slice %arg7[%add3A_30] : memref<10240xf32, #tpu.memory_space<vmem_shared>> -> memref<128xf32, #tpu.memory_space<vmem_shared>>
      %dma_wait3A_162 = tpu.memref_slice %arg7[%add3A_30] : memref<10240xf32, #tpu.memory_space<vmem_shared>> -> memref<128xf32, #tpu.memory_space<vmem_shared>>
      %dma_wait3A_163 = arith.constant 0 : i32
      %dma_wait3A_164 = tpu.memref_slice %arg10[%run_scoped3A_31, %dma_wait3A_163] : memref<128x128xf32, #tpu.memory_space<vmem>> -> memref<1x128xf32, #tpu.memory_space<vmem>>
      %dma_wait3A_165 = tpu.memref_squeeze %dma_wait3A_164 : memref<1x128xf32, #tpu.memory_space<vmem>> -> memref<128xf32, #tpu.memory_space<vmem>>
      tpu.wait_dma2 semaphore(%run_scoped3A_150 : memref<!tpu.dma_semaphore, #tpu.memory_space<semaphore_mem>>) src(%dma_wait3A_165 : memref<128xf32, #tpu.memory_space<vmem>>) dst(%dma_wait3A_162 : memref<128xf32, #tpu.memory_space<vmem_shared>>)
      tpu.yield
    }) : () -> ()
    %mul3A_32 = arith.constant 640 : i32
    %mul3A_33 = arith.muli %arg1, %mul3A_32 : i32
    %add3A_34 = arith.constant 384 : i32
    %add3A_35 = arith.addi %mul3A_33, %add3A_34 : i32
    "tpu.region"() ({
      %run_scoped3A_150 = tpu.sem_alloc : memref<!tpu.dma_semaphore, #tpu.memory_space<semaphore_mem>>
      %dma_start3A_151 = arith.constant 0 : i32
      %dma_start3A_152 = tpu.memref_slice %arg6[%add3A_35, %dma_start3A_151] : memref<10240x128xf32, #tpu.memory_space<vmem_shared>> -> memref<128x128xf32, #tpu.memory_space<vmem_shared>>
      %dma_start3A_153 = arith.constant 0 : i32
      %dma_start3A_154 = tpu.memref_slice %arg6[%add3A_35, %dma_start3A_153] : memref<10240x128xf32, #tpu.memory_space<vmem_shared>> -> memref<128x128xf32, #tpu.memory_space<vmem_shared>>
      tpu.enqueue_dma source(%arg10 : memref<128x128xf32, #tpu.memory_space<vmem>>) target(%dma_start3A_154 : memref<128x128xf32, #tpu.memory_space<vmem_shared>>) target_semaphore(%run_scoped3A_150 : memref<!tpu.dma_semaphore, #tpu.memory_space<semaphore_mem>>)
      %dma_wait3A = arith.constant 0 : i32
      %dma_wait3A_155 = tpu.memref_slice %arg6[%add3A_35, %dma_wait3A] : memref<10240x128xf32, #tpu.memory_space<vmem_shared>> -> memref<128x128xf32, #tpu.memory_space<vmem_shared>>
      %dma_wait3A_156 = arith.constant 0 : i32
      %dma_wait3A_157 = tpu.memref_slice %arg6[%add3A_35, %dma_wait3A_156] : memref<10240x128xf32, #tpu.memory_space<vmem_shared>> -> memref<128x128xf32, #tpu.memory_space<vmem_shared>>
      tpu.wait_dma2 semaphore(%run_scoped3A_150 : memref<!tpu.dma_semaphore, #tpu.memory_space<semaphore_mem>>) src(%arg10 : memref<128x128xf32, #tpu.memory_space<vmem>>) dst(%dma_wait3A_157 : memref<128x128xf32, #tpu.memory_space<vmem_shared>>)
      tpu.yield
    }) : () -> ()
    %mul3A_36 = arith.constant 640 : i32
    %mul3A_37 = arith.muli %arg1, %mul3A_36 : i32
    %add3A_38 = arith.constant 384 : i32
    %add3A_39 = arith.addi %mul3A_37, %add3A_38 : i32
    %run_scoped3A_40 = arith.constant 0 : i32
    "tpu.region"() ({
      %run_scoped3A_150 = tpu.sem_alloc : memref<!tpu.dma_semaphore, #tpu.memory_space<semaphore_mem>>
      %dma_start3A_151 = arith.constant 0 : i32
      %dma_start3A_152 = tpu.memref_slice %arg10[%run_scoped3A_40, %dma_start3A_151] : memref<128x128xf32, #tpu.memory_space<vmem>> -> memref<1x128xf32, #tpu.memory_space<vmem>>
      %dma_start3A_153 = tpu.memref_squeeze %dma_start3A_152 : memref<1x128xf32, #tpu.memory_space<vmem>> -> memref<128xf32, #tpu.memory_space<vmem>>
      %dma_start3A_154 = tpu.memref_slice %arg7[%add3A_39] : memref<10240xf32, #tpu.memory_space<vmem_shared>> -> memref<128xf32, #tpu.memory_space<vmem_shared>>
      %dma_start3A_155 = tpu.memref_slice %arg7[%add3A_39] : memref<10240xf32, #tpu.memory_space<vmem_shared>> -> memref<128xf32, #tpu.memory_space<vmem_shared>>
      %dma_start3A_156 = arith.constant 0 : i32
      %dma_start3A_157 = tpu.memref_slice %arg10[%run_scoped3A_40, %dma_start3A_156] : memref<128x128xf32, #tpu.memory_space<vmem>> -> memref<1x128xf32, #tpu.memory_space<vmem>>
      %dma_start3A_158 = tpu.memref_squeeze %dma_start3A_157 : memref<1x128xf32, #tpu.memory_space<vmem>> -> memref<128xf32, #tpu.memory_space<vmem>>
      tpu.enqueue_dma source(%dma_start3A_158 : memref<128xf32, #tpu.memory_space<vmem>>) target(%dma_start3A_155 : memref<128xf32, #tpu.memory_space<vmem_shared>>) target_semaphore(%run_scoped3A_150 : memref<!tpu.dma_semaphore, #tpu.memory_space<semaphore_mem>>)
      %dma_wait3A = arith.constant 0 : i32
      %dma_wait3A_159 = tpu.memref_slice %arg10[%run_scoped3A_40, %dma_wait3A] : memref<128x128xf32, #tpu.memory_space<vmem>> -> memref<1x128xf32, #tpu.memory_space<vmem>>
      %dma_wait3A_160 = tpu.memref_squeeze %dma_wait3A_159 : memref<1x128xf32, #tpu.memory_space<vmem>> -> memref<128xf32, #tpu.memory_space<vmem>>
      %dma_wait3A_161 = tpu.memref_slice %arg7[%add3A_39] : memref<10240xf32, #tpu.memory_space<vmem_shared>> -> memref<128xf32, #tpu.memory_space<vmem_shared>>
      %dma_wait3A_162 = tpu.memref_slice %arg7[%add3A_39] : memref<10240xf32, #tpu.memory_space<vmem_shared>> -> memref<128xf32, #tpu.memory_space<vmem_shared>>
      %dma_wait3A_163 = arith.constant 0 : i32
      %dma_wait3A_164 = tpu.memref_slice %arg10[%run_scoped3A_40, %dma_wait3A_163] : memref<128x128xf32, #tpu.memory_space<vmem>> -> memref<1x128xf32, #tpu.memory_space<vmem>>
      %dma_wait3A_165 = tpu.memref_squeeze %dma_wait3A_164 : memref<1x128xf32, #tpu.memory_space<vmem>> -> memref<128xf32, #tpu.memory_space<vmem>>
      tpu.wait_dma2 semaphore(%run_scoped3A_150 : memref<!tpu.dma_semaphore, #tpu.memory_space<semaphore_mem>>) src(%dma_wait3A_165 : memref<128xf32, #tpu.memory_space<vmem>>) dst(%dma_wait3A_162 : memref<128xf32, #tpu.memory_space<vmem_shared>>)
      tpu.yield
    }) : () -> ()
    %mul3A_41 = arith.constant 640 : i32
    %mul3A_42 = arith.muli %arg1, %mul3A_41 : i32
    %add3A_43 = arith.constant 512 : i32
    %add3A_44 = arith.addi %mul3A_42, %add3A_43 : i32
    "tpu.region"() ({
      %run_scoped3A_150 = tpu.sem_alloc : memref<!tpu.dma_semaphore, #tpu.memory_space<semaphore_mem>>
      %dma_start3A_151 = arith.constant 0 : i32
      %dma_start3A_152 = tpu.memref_slice %arg6[%add3A_44, %dma_start3A_151] : memref<10240x128xf32, #tpu.memory_space<vmem_shared>> -> memref<128x128xf32, #tpu.memory_space<vmem_shared>>
      %dma_start3A_153 = arith.constant 0 : i32
      %dma_start3A_154 = tpu.memref_slice %arg6[%add3A_44, %dma_start3A_153] : memref<10240x128xf32, #tpu.memory_space<vmem_shared>> -> memref<128x128xf32, #tpu.memory_space<vmem_shared>>
      tpu.enqueue_dma source(%arg10 : memref<128x128xf32, #tpu.memory_space<vmem>>) target(%dma_start3A_154 : memref<128x128xf32, #tpu.memory_space<vmem_shared>>) target_semaphore(%run_scoped3A_150 : memref<!tpu.dma_semaphore, #tpu.memory_space<semaphore_mem>>)
      %dma_wait3A = arith.constant 0 : i32
      %dma_wait3A_155 = tpu.memref_slice %arg6[%add3A_44, %dma_wait3A] : memref<10240x128xf32, #tpu.memory_space<vmem_shared>> -> memref<128x128xf32, #tpu.memory_space<vmem_shared>>
      %dma_wait3A_156 = arith.constant 0 : i32
      %dma_wait3A_157 = tpu.memref_slice %arg6[%add3A_44, %dma_wait3A_156] : memref<10240x128xf32, #tpu.memory_space<vmem_shared>> -> memref<128x128xf32, #tpu.memory_space<vmem_shared>>
      tpu.wait_dma2 semaphore(%run_scoped3A_150 : memref<!tpu.dma_semaphore, #tpu.memory_space<semaphore_mem>>) src(%arg10 : memref<128x128xf32, #tpu.memory_space<vmem>>) dst(%dma_wait3A_157 : memref<128x128xf32, #tpu.memory_space<vmem_shared>>)
      tpu.yield
    }) : () -> ()
    %mul3A_45 = arith.constant 640 : i32
    %mul3A_46 = arith.muli %arg1, %mul3A_45 : i32
    %add3A_47 = arith.constant 512 : i32
    %add3A_48 = arith.addi %mul3A_46, %add3A_47 : i32
    %run_scoped3A_49 = arith.constant 0 : i32
    "tpu.region"() ({
      %run_scoped3A_150 = tpu.sem_alloc : memref<!tpu.dma_semaphore, #tpu.memory_space<semaphore_mem>>
      %dma_start3A_151 = arith.constant 0 : i32
      %dma_start3A_152 = tpu.memref_slice %arg10[%run_scoped3A_49, %dma_start3A_151] : memref<128x128xf32, #tpu.memory_space<vmem>> -> memref<1x128xf32, #tpu.memory_space<vmem>>
      %dma_start3A_153 = tpu.memref_squeeze %dma_start3A_152 : memref<1x128xf32, #tpu.memory_space<vmem>> -> memref<128xf32, #tpu.memory_space<vmem>>
      %dma_start3A_154 = tpu.memref_slice %arg7[%add3A_48] : memref<10240xf32, #tpu.memory_space<vmem_shared>> -> memref<128xf32, #tpu.memory_space<vmem_shared>>
      %dma_start3A_155 = tpu.memref_slice %arg7[%add3A_48] : memref<10240xf32, #tpu.memory_space<vmem_shared>> -> memref<128xf32, #tpu.memory_space<vmem_shared>>
      %dma_start3A_156 = arith.constant 0 : i32
      %dma_start3A_157 = tpu.memref_slice %arg10[%run_scoped3A_49, %dma_start3A_156] : memref<128x128xf32, #tpu.memory_space<vmem>> -> memref<1x128xf32, #tpu.memory_space<vmem>>
      %dma_start3A_158 = tpu.memref_squeeze %dma_start3A_157 : memref<1x128xf32, #tpu.memory_space<vmem>> -> memref<128xf32, #tpu.memory_space<vmem>>
      tpu.enqueue_dma source(%dma_start3A_158 : memref<128xf32, #tpu.memory_space<vmem>>) target(%dma_start3A_155 : memref<128xf32, #tpu.memory_space<vmem_shared>>) target_semaphore(%run_scoped3A_150 : memref<!tpu.dma_semaphore, #tpu.memory_space<semaphore_mem>>)
      %dma_wait3A = arith.constant 0 : i32
      %dma_wait3A_159 = tpu.memref_slice %arg10[%run_scoped3A_49, %dma_wait3A] : memref<128x128xf32, #tpu.memory_space<vmem>> -> memref<1x128xf32, #tpu.memory_space<vmem>>
      %dma_wait3A_160 = tpu.memref_squeeze %dma_wait3A_159 : memref<1x128xf32, #tpu.memory_space<vmem>> -> memref<128xf32, #tpu.memory_space<vmem>>
      %dma_wait3A_161 = tpu.memref_slice %arg7[%add3A_48] : memref<10240xf32, #tpu.memory_space<vmem_shared>> -> memref<128xf32, #tpu.memory_space<vmem_shared>>
      %dma_wait3A_162 = tpu.memref_slice %arg7[%add3A_48] : memref<10240xf32, #tpu.memory_space<vmem_shared>> -> memref<128xf32, #tpu.memory_space<vmem_shared>>
      %dma_wait3A_163 = arith.constant 0 : i32
      %dma_wait3A_164 = tpu.memref_slice %arg10[%run_scoped3A_49, %dma_wait3A_163] : memref<128x128xf32, #tpu.memory_space<vmem>> -> memref<1x128xf32, #tpu.memory_space<vmem>>
      %dma_wait3A_165 = tpu.memref_squeeze %dma_wait3A_164 : memref<1x128xf32, #tpu.memory_space<vmem>> -> memref<128xf32, #tpu.memory_space<vmem>>
      tpu.wait_dma2 semaphore(%run_scoped3A_150 : memref<!tpu.dma_semaphore, #tpu.memory_space<semaphore_mem>>) src(%dma_wait3A_165 : memref<128xf32, #tpu.memory_space<vmem>>) dst(%dma_wait3A_162 : memref<128xf32, #tpu.memory_space<vmem_shared>>)
      tpu.yield
    }) : () -> ()
    %broadcast_in_dim3A = arith.constant 1.000000e+00 : f32
    %broadcast_in_dim3A_50 = vector.broadcast %broadcast_in_dim3A : f32 to vector<16xf32>
    %swap3A = arith.constant 0 : index
    %swap3A_51 = tpu.vector_load %arg12[%swap3A] {strides = array<i32>} : memref<128xf32, #tpu.memory_space<vmem>>, vector<16xf32>,
    %swap3A_52 = vector.shape_cast %swap3A_51 : vector<16xf32> to vector<16xf32>
    %swap3A_53 = vector.shape_cast %broadcast_in_dim3A_50 : vector<16xf32> to vector<16xf32>
    tpu.vector_store %arg12[%swap3A], %swap3A_53 {strides = array<i32>} : memref<128xf32, #tpu.memory_space<vmem>>, vector<16xf32>,
    %broadcast_in_dim3A_54 = arith.constant 1.000000e+00 : f32
    %broadcast_in_dim3A_55 = vector.broadcast %broadcast_in_dim3A_54 : f32 to vector<16xf32>
    %swap3A_56 = arith.constant 16 : index
    %swap3A_57 = tpu.vector_load %arg12[%swap3A_56] {strides = array<i32>} : memref<128xf32, #tpu.memory_space<vmem>>, vector<16xf32>,
    %swap3A_58 = vector.shape_cast %swap3A_57 : vector<16xf32> to vector<16xf32>
    %swap3A_59 = vector.shape_cast %broadcast_in_dim3A_55 : vector<16xf32> to vector<16xf32>
    tpu.vector_store %arg12[%swap3A_56], %swap3A_59 {strides = array<i32>} : memref<128xf32, #tpu.memory_space<vmem>>, vector<16xf32>,
    %broadcast_in_dim3A_60 = arith.constant 1.000000e+00 : f32
    %broadcast_in_dim3A_61 = vector.broadcast %broadcast_in_dim3A_60 : f32 to vector<16xf32>
    %swap3A_62 = arith.constant 32 : index
    %swap3A_63 = tpu.vector_load %arg12[%swap3A_62] {strides = array<i32>} : memref<128xf32, #tpu.memory_space<vmem>>, vector<16xf32>,
    %swap3A_64 = vector.shape_cast %swap3A_63 : vector<16xf32> to vector<16xf32>
    %swap3A_65 = vector.shape_cast %broadcast_in_dim3A_61 : vector<16xf32> to vector<16xf32>
    tpu.vector_store %arg12[%swap3A_62], %swap3A_65 {strides = array<i32>} : memref<128xf32, #tpu.memory_space<vmem>>, vector<16xf32>,
    %broadcast_in_dim3A_66 = arith.constant 1.000000e+00 : f32
    %broadcast_in_dim3A_67 = vector.broadcast %broadcast_in_dim3A_66 : f32 to vector<16xf32>
    %swap3A_68 = arith.constant 48 : index
    %swap3A_69 = tpu.vector_load %arg12[%swap3A_68] {strides = array<i32>} : memref<128xf32, #tpu.memory_space<vmem>>, vector<16xf32>,
    %swap3A_70 = vector.shape_cast %swap3A_69 : vector<16xf32> to vector<16xf32>
    %swap3A_71 = vector.shape_cast %broadcast_in_dim3A_67 : vector<16xf32> to vector<16xf32>
    tpu.vector_store %arg12[%swap3A_68], %swap3A_71 {strides = array<i32>} : memref<128xf32, #tpu.memory_space<vmem>>, vector<16xf32>,
    %broadcast_in_dim3A_72 = arith.constant 1.000000e+00 : f32
    %broadcast_in_dim3A_73 = vector.broadcast %broadcast_in_dim3A_72 : f32 to vector<16xf32>
    %swap3A_74 = arith.constant 64 : index
    %swap3A_75 = tpu.vector_load %arg12[%swap3A_74] {strides = array<i32>} : memref<128xf32, #tpu.memory_space<vmem>>, vector<16xf32>,
    %swap3A_76 = vector.shape_cast %swap3A_75 : vector<16xf32> to vector<16xf32>
    %swap3A_77 = vector.shape_cast %broadcast_in_dim3A_73 : vector<16xf32> to vector<16xf32>
    tpu.vector_store %arg12[%swap3A_74], %swap3A_77 {strides = array<i32>} : memref<128xf32, #tpu.memory_space<vmem>>, vector<16xf32>,
    %broadcast_in_dim3A_78 = arith.constant 1.000000e+00 : f32
    %broadcast_in_dim3A_79 = vector.broadcast %broadcast_in_dim3A_78 : f32 to vector<16xf32>
    %swap3A_80 = arith.constant 80 : index
    %swap3A_81 = tpu.vector_load %arg12[%swap3A_80] {strides = array<i32>} : memref<128xf32, #tpu.memory_space<vmem>>, vector<16xf32>,
    %swap3A_82 = vector.shape_cast %swap3A_81 : vector<16xf32> to vector<16xf32>
    %swap3A_83 = vector.shape_cast %broadcast_in_dim3A_79 : vector<16xf32> to vector<16xf32>
    tpu.vector_store %arg12[%swap3A_80], %swap3A_83 {strides = array<i32>} : memref<128xf32, #tpu.memory_space<vmem>>, vector<16xf32>,
    %broadcast_in_dim3A_84 = arith.constant 1.000000e+00 : f32
    %broadcast_in_dim3A_85 = vector.broadcast %broadcast_in_dim3A_84 : f32 to vector<16xf32>
    %swap3A_86 = arith.constant 96 : index
    %swap3A_87 = tpu.vector_load %arg12[%swap3A_86] {strides = array<i32>} : memref<128xf32, #tpu.memory_space<vmem>>, vector<16xf32>,
    %swap3A_88 = vector.shape_cast %swap3A_87 : vector<16xf32> to vector<16xf32>
    %swap3A_89 = vector.shape_cast %broadcast_in_dim3A_85 : vector<16xf32> to vector<16xf32>
    tpu.vector_store %arg12[%swap3A_86], %swap3A_89 {strides = array<i32>} : memref<128xf32, #tpu.memory_space<vmem>>, vector<16xf32>,
    %broadcast_in_dim3A_90 = arith.constant 1.000000e+00 : f32
    %broadcast_in_dim3A_91 = vector.broadcast %broadcast_in_dim3A_90 : f32 to vector<16xf32>
    %swap3A_92 = arith.constant 112 : index
    %swap3A_93 = tpu.vector_load %arg12[%swap3A_92] {strides = array<i32>} : memref<128xf32, #tpu.memory_space<vmem>>, vector<16xf32>,
    %swap3A_94 = vector.shape_cast %swap3A_93 : vector<16xf32> to vector<16xf32>
    %swap3A_95 = vector.shape_cast %broadcast_in_dim3A_91 : vector<16xf32> to vector<16xf32>
    tpu.vector_store %arg12[%swap3A_92], %swap3A_95 {strides = array<i32>} : memref<128xf32, #tpu.memory_space<vmem>>, vector<16xf32>,
    %barrier3A = arith.constant 0 : index
    tpu.barrier barrier_id(%barrier3A)
    %run_scoped3A_96 = arith.constant 0 : i32
    "tpu.region"() ({
      %run_scoped3A_150 = tpu.sem_alloc : memref<!tpu.dma_semaphore, #tpu.memory_space<semaphore_mem>>
      %dma_start3A_151 = arith.constant 0 : i32
      %dma_start3A_152 = arith.constant 0 : i32
      %dma_start3A_153 = tpu.memref_slice %arg3[%run_scoped3A_96, %add3A, %dma_start3A_151, %dma_start3A_152] : memref<2x32x80x125xi32, #tpu.memory_space<hbm>> -> memref<1x1x40x125xi32, #tpu.memory_space<hbm>>
      %dma_start3A_154 = tpu.memref_squeeze %dma_start3A_153 : memref<1x1x40x125xi32, #tpu.memory_space<hbm>> -> memref<40x125xi32, #tpu.memory_space<hbm>>
      %dma_start3A_155 = arith.constant 0 : i32
      %dma_start3A_156 = arith.constant 0 : i32
      %dma_start3A_157 = tpu.memref_slice %arg3[%run_scoped3A_96, %add3A, %dma_start3A_155, %dma_start3A_156] : memref<2x32x80x125xi32, #tpu.memory_space<hbm>> -> memref<1x1x40x125xi32, #tpu.memory_space<hbm>>
      %dma_start3A_158 = tpu.memref_squeeze %dma_start3A_157 : memref<1x1x40x125xi32, #tpu.memory_space<hbm>> -> memref<40x125xi32, #tpu.memory_space<hbm>>
      tpu.enqueue_dma source(%dma_start3A_158 : memref<40x125xi32, #tpu.memory_space<hbm>>) target(%arg8 : memref<40x125xi32, #tpu.memory_space<vmem>>) target_semaphore(%run_scoped3A_150 : memref<!tpu.dma_semaphore, #tpu.memory_space<semaphore_mem>>)
      %dma_wait3A = arith.constant 0 : i32
      %dma_wait3A_159 = arith.constant 0 : i32
      %dma_wait3A_160 = tpu.memref_slice %arg3[%run_scoped3A_96, %add3A, %dma_wait3A, %dma_wait3A_159] : memref<2x32x80x125xi32, #tpu.memory_space<hbm>> -> memref<1x1x40x125xi32, #tpu.memory_space<hbm>>
      %dma_wait3A_161 = tpu.memref_squeeze %dma_wait3A_160 : memref<1x1x40x125xi32, #tpu.memory_space<hbm>> -> memref<40x125xi32, #tpu.memory_space<hbm>>
      %dma_wait3A_162 = arith.constant 0 : i32
      %dma_wait3A_163 = arith.constant 0 : i32
      %dma_wait3A_164 = tpu.memref_slice %arg3[%run_scoped3A_96, %add3A, %dma_wait3A_162, %dma_wait3A_163] : memref<2x32x80x125xi32, #tpu.memory_space<hbm>> -> memref<1x1x40x125xi32, #tpu.memory_space<hbm>>
      %dma_wait3A_165 = tpu.memref_squeeze %dma_wait3A_164 : memref<1x1x40x125xi32, #tpu.memory_space<hbm>> -> memref<40x125xi32, #tpu.memory_space<hbm>>
      tpu.wait_dma2 semaphore(%run_scoped3A_150 : memref<!tpu.dma_semaphore, #tpu.memory_space<semaphore_mem>>) src(%dma_wait3A_165 : memref<40x125xi32, #tpu.memory_space<hbm>>) dst(%arg8 : memref<40x125xi32, #tpu.memory_space<vmem>>)
      tpu.yield
    }) : () -> ()
    %run_scoped3A_97 = arith.constant 1 : i32
    "tpu.region"() ({
      %run_scoped3A_150 = tpu.sem_alloc : memref<!tpu.dma_semaphore, #tpu.memory_space<semaphore_mem>>
      %dma_start3A_151 = arith.constant 0 : i32
      %dma_start3A_152 = arith.constant 0 : i32
      %dma_start3A_153 = tpu.memref_slice %arg3[%run_scoped3A_97, %add3A, %dma_start3A_151, %dma_start3A_152] : memref<2x32x80x125xi32, #tpu.memory_space<hbm>> -> memref<1x1x40x125xi32, #tpu.memory_space<hbm>>
      %dma_start3A_154 = tpu.memref_squeeze %dma_start3A_153 : memref<1x1x40x125xi32, #tpu.memory_space<hbm>> -> memref<40x125xi32, #tpu.memory_space<hbm>>
      %dma_start3A_155 = arith.constant 0 : i32
      %dma_start3A_156 = arith.constant 0 : i32
      %dma_start3A_157 = tpu.memref_slice %arg3[%run_scoped3A_97, %add3A, %dma_start3A_155, %dma_start3A_156] : memref<2x32x80x125xi32, #tpu.memory_space<hbm>> -> memref<1x1x40x125xi32, #tpu.memory_space<hbm>>
      %dma_start3A_158 = tpu.memref_squeeze %dma_start3A_157 : memref<1x1x40x125xi32, #tpu.memory_space<hbm>> -> memref<40x125xi32, #tpu.memory_space<hbm>>
      tpu.enqueue_dma source(%dma_start3A_158 : memref<40x125xi32, #tpu.memory_space<hbm>>) target(%arg9 : memref<40x125xi32, #tpu.memory_space<vmem>>) target_semaphore(%run_scoped3A_150 : memref<!tpu.dma_semaphore, #tpu.memory_space<semaphore_mem>>)
      %dma_wait3A = arith.constant 0 : i32
      %dma_wait3A_159 = arith.constant 0 : i32
      %dma_wait3A_160 = tpu.memref_slice %arg3[%run_scoped3A_97, %add3A, %dma_wait3A, %dma_wait3A_159] : memref<2x32x80x125xi32, #tpu.memory_space<hbm>> -> memref<1x1x40x125xi32, #tpu.memory_space<hbm>>
      %dma_wait3A_161 = tpu.memref_squeeze %dma_wait3A_160 : memref<1x1x40x125xi32, #tpu.memory_space<hbm>> -> memref<40x125xi32, #tpu.memory_space<hbm>>
      %dma_wait3A_162 = arith.constant 0 : i32
      %dma_wait3A_163 = arith.constant 0 : i32
      %dma_wait3A_164 = tpu.memref_slice %arg3[%run_scoped3A_97, %add3A, %dma_wait3A_162, %dma_wait3A_163] : memref<2x32x80x125xi32, #tpu.memory_space<hbm>> -> memref<1x1x40x125xi32, #tpu.memory_space<hbm>>
      %dma_wait3A_165 = tpu.memref_squeeze %dma_wait3A_164 : memref<1x1x40x125xi32, #tpu.memory_space<hbm>> -> memref<40x125xi32, #tpu.memory_space<hbm>>
      tpu.wait_dma2 semaphore(%run_scoped3A_150 : memref<!tpu.dma_semaphore, #tpu.memory_space<semaphore_mem>>) src(%dma_wait3A_165 : memref<40x125xi32, #tpu.memory_space<hbm>>) dst(%arg9 : memref<40x125xi32, #tpu.memory_space<vmem>>)
      tpu.yield
    }) : () -> ()
    %dma_start3A = arith.constant 0 : i32
    %dma_start3A_98 = arith.constant 0 : i32
    %dma_start3A_99 = arith.constant 0 : i32
    %dma_start3A_100 = tpu.memref_slice %arg10[%dma_start3A_98, %dma_start3A_99] : memref<128x128xf32, #tpu.memory_space<vmem>> -> memref<125x128xf32, #tpu.memory_space<vmem>>
    %dma_start3A_101 = arith.constant 0 : i32
    %dma_start3A_102 = tpu.memref_slice %arg8[%dma_start3A, %dma_start3A_101] : memref<40x125xi32, #tpu.memory_space<vmem>> -> memref<1x125xi32, #tpu.memory_space<vmem>>
    %dma_start3A_103 = tpu.memref_squeeze %dma_start3A_102 : memref<1x125xi32, #tpu.memory_space<vmem>> -> memref<125xi32, #tpu.memory_space<vmem>>
    %dma_start3A_104 = arith.constant 0 : i32
    %dma_start3A_105 = arith.constant 0 : i32
    %dma_start3A_106 = tpu.memref_slice %arg2[%dma_start3A_104, %dma_start3A_105] : memref<10000x128xf32, #tpu.memory_space<hbm>> -> memref<10000x128xf32, #tpu.memory_space<hbm>>
    tpu.enqueue_indirect_dma source(%dma_start3A_106 : memref<10000x128xf32, #tpu.memory_space<hbm>>) target(%dma_start3A_100 : memref<125x128xf32, #tpu.memory_space<vmem>>) offsets(%dma_start3A_103 : memref<125xi32, #tpu.memory_space<vmem>>) semaphore(%arg13 : memref<!tpu.dma_semaphore, #tpu.memory_space<semaphore_mem>>)
    %scan3A_107 = arith.constant 0 : i32
    %scan3A_108 = arith.constant 0 : i32
    %scan3A_109 = arith.constant 20 : i32
    %scan3A_110 = arith.addi %scan3A_108, %scan3A_109 : i32
    %scan3A_111 = arith.constant 1 : i32
    scf.for %scan3A_150 = %scan3A_108 to %scan3A_110 step %scan3A_111  : i32 {
      %mul3A_151 = arith.constant 2 : i32
      %mul3A_152 = arith.muli %mul3A_151, %scan3A_150 : i32
      %dma_wait3A = arith.constant 0 : i32
      %dma_wait3A_153 = arith.constant 0 : i32
      %dma_wait3A_154 = tpu.memref_slice %arg10[%dma_wait3A, %dma_wait3A_153] : memref<128x128xf32, #tpu.memory_space<vmem>> -> memref<125x128xf32, #tpu.memory_space<vmem>>
      %dma_wait3A_155 = arith.constant 0 : i32
      %dma_wait3A_156 = tpu.memref_slice %arg8[%mul3A_152, %dma_wait3A_155] : memref<40x125xi32, #tpu.memory_space<vmem>> -> memref<1x125xi32, #tpu.memory_space<vmem>>
      %dma_wait3A_157 = tpu.memref_squeeze %dma_wait3A_156 : memref<1x125xi32, #tpu.memory_space<vmem>> -> memref<125xi32, #tpu.memory_space<vmem>>
      %dma_wait3A_158 = arith.constant 0 : i32
      %dma_wait3A_159 = arith.constant 0 : i32
      %dma_wait3A_160 = tpu.memref_slice %arg2[%dma_wait3A_158, %dma_wait3A_159] : memref<10000x128xf32, #tpu.memory_space<hbm>> -> memref<10000x128xf32, #tpu.memory_space<hbm>>
      tpu.wait_indirect_dma semaphore(%arg13 : memref<!tpu.dma_semaphore, #tpu.memory_space<semaphore_mem>>) src(%dma_wait3A_160 : memref<10000x128xf32, #tpu.memory_space<hbm>>) dst(%dma_wait3A_154 : memref<125x128xf32, #tpu.memory_space<vmem>>)
      %add3A_161 = arith.constant 1 : i32
      %add3A_162 = arith.addi %mul3A_152, %add3A_161 : i32
      %dma_start3A_163 = arith.constant 0 : i32
      %dma_start3A_164 = arith.constant 0 : i32
      %dma_start3A_165 = tpu.memref_slice %arg11[%dma_start3A_163, %dma_start3A_164] : memref<128x128xf32, #tpu.memory_space<vmem>> -> memref<125x128xf32, #tpu.memory_space<vmem>>
      %dma_start3A_166 = arith.constant 0 : i32
      %dma_start3A_167 = tpu.memref_slice %arg8[%add3A_162, %dma_start3A_166] : memref<40x125xi32, #tpu.memory_space<vmem>> -> memref<1x125xi32, #tpu.memory_space<vmem>>
      %dma_start3A_168 = tpu.memref_squeeze %dma_start3A_167 : memref<1x125xi32, #tpu.memory_space<vmem>> -> memref<125xi32, #tpu.memory_space<vmem>>
      %dma_start3A_169 = arith.constant 0 : i32
      %dma_start3A_170 = arith.constant 0 : i32
      %dma_start3A_171 = tpu.memref_slice %arg2[%dma_start3A_169, %dma_start3A_170] : memref<10000x128xf32, #tpu.memory_space<hbm>> -> memref<10000x128xf32, #tpu.memory_space<hbm>>
      tpu.enqueue_indirect_dma source(%dma_start3A_171 : memref<10000x128xf32, #tpu.memory_space<hbm>>) target(%dma_start3A_165 : memref<125x128xf32, #tpu.memory_space<vmem>>) offsets(%dma_start3A_168 : memref<125xi32, #tpu.memory_space<vmem>>) semaphore(%arg14 : memref<!tpu.dma_semaphore, #tpu.memory_space<semaphore_mem>>)
      "tpu.region"() ({
        %run_scoped3A_205 = tpu.sem_alloc : memref<!tpu.dma_semaphore, #tpu.memory_space<semaphore_mem>>
        %dma_start3A_206 = arith.constant 0 : i32
        %dma_start3A_207 = arith.constant 0 : i32
        %dma_start3A_208 = tpu.memref_slice %arg10[%dma_start3A_206, %dma_start3A_207] : memref<128x128xf32, #tpu.memory_space<vmem>> -> memref<125x128xf32, #tpu.memory_space<vmem>>
        %dma_start3A_209 = arith.constant 0 : i32
        %dma_start3A_210 = tpu.memref_slice %arg9[%mul3A_152, %dma_start3A_209] : memref<40x125xi32, #tpu.memory_space<vmem>> -> memref<1x125xi32, #tpu.memory_space<vmem>>
        %dma_start3A_211 = tpu.memref_squeeze %dma_start3A_210 : memref<1x125xi32, #tpu.memory_space<vmem>> -> memref<125xi32, #tpu.memory_space<vmem>>
        %dma_start3A_212 = arith.constant 0 : i32
        %dma_start3A_213 = arith.constant 0 : i32
        %dma_start3A_214 = tpu.memref_slice %arg6[%dma_start3A_212, %dma_start3A_213] : memref<10240x128xf32, #tpu.memory_space<vmem_shared>> -> memref<10240x128xf32, #tpu.memory_space<vmem_shared>>
        tpu.enqueue_indirect_dma source(%dma_start3A_208 : memref<125x128xf32, #tpu.memory_space<vmem>>) target(%dma_start3A_214 : memref<10240x128xf32, #tpu.memory_space<vmem_shared>>) offsets(%dma_start3A_211 : memref<125xi32, #tpu.memory_space<vmem>>) semaphore(%run_scoped3A_205 : memref<!tpu.dma_semaphore, #tpu.memory_space<semaphore_mem>>) {add = true}
        %dma_wait3A_215 = arith.constant 0 : i32
        %dma_wait3A_216 = arith.constant 0 : i32
        %dma_wait3A_217 = tpu.memref_slice %arg10[%dma_wait3A_215, %dma_wait3A_216] : memref<128x128xf32, #tpu.memory_space<vmem>> -> memref<125x128xf32, #tpu.memory_space<vmem>>
        %dma_wait3A_218 = arith.constant 0 : i32
        %dma_wait3A_219 = tpu.memref_slice %arg9[%mul3A_152, %dma_wait3A_218] : memref<40x125xi32, #tpu.memory_space<vmem>> -> memref<1x125xi32, #tpu.memory_space<vmem>>
        %dma_wait3A_220 = tpu.memref_squeeze %dma_wait3A_219 : memref<1x125xi32, #tpu.memory_space<vmem>> -> memref<125xi32, #tpu.memory_space<vmem>>
        %dma_wait3A_221 = arith.constant 0 : i32
        %dma_wait3A_222 = arith.constant 0 : i32
        %dma_wait3A_223 = tpu.memref_slice %arg6[%dma_wait3A_221, %dma_wait3A_222] : memref<10240x128xf32, #tpu.memory_space<vmem_shared>> -> memref<10240x128xf32, #tpu.memory_space<vmem_shared>>
        tpu.wait_indirect_dma semaphore(%run_scoped3A_205 : memref<!tpu.dma_semaphore, #tpu.memory_space<semaphore_mem>>) src(%dma_wait3A_217 : memref<125x128xf32, #tpu.memory_space<vmem>>) dst(%dma_wait3A_223 : memref<10240x128xf32, #tpu.memory_space<vmem_shared>>)
        tpu.yield
      }) : () -> ()
      %dma_start3A_172 = arith.constant 0 : i32
      %dma_start3A_173 = tpu.memref_slice %arg12[%dma_start3A_172] : memref<128xf32, #tpu.memory_space<vmem>> -> memref<125xf32, #tpu.memory_space<vmem>>
      %dma_start3A_174 = arith.constant 0 : i32
      %dma_start3A_175 = tpu.memref_slice %arg9[%mul3A_152, %dma_start3A_174] : memref<40x125xi32, #tpu.memory_space<vmem>> -> memref<1x125xi32, #tpu.memory_space<vmem>>
      %dma_start3A_176 = tpu.memref_squeeze %dma_start3A_175 : memref<1x125xi32, #tpu.memory_space<vmem>> -> memref<125xi32, #tpu.memory_space<vmem>>
      %dma_start3A_177 = arith.constant 0 : i32
      %dma_start3A_178 = tpu.memref_slice %arg7[%dma_start3A_177] : memref<10240xf32, #tpu.memory_space<vmem_shared>> -> memref<10240xf32, #tpu.memory_space<vmem_shared>>
      tpu.enqueue_indirect_dma source(%dma_start3A_173 : memref<125xf32, #tpu.memory_space<vmem>>) target(%dma_start3A_178 : memref<10240xf32, #tpu.memory_space<vmem_shared>>) offsets(%dma_start3A_176 : memref<125xi32, #tpu.memory_space<vmem>>) semaphore(%arg15 : memref<!tpu.dma_semaphore, #tpu.memory_space<semaphore_mem>>) {add = true}
      %add3A_179 = arith.constant 1 : i32
      %add3A_180 = arith.addi %mul3A_152, %add3A_179 : i32
      %dma_wait3A_181 = arith.constant 0 : i32
      %dma_wait3A_182 = arith.constant 0 : i32
      %dma_wait3A_183 = tpu.memref_slice %arg11[%dma_wait3A_181, %dma_wait3A_182] : memref<128x128xf32, #tpu.memory_space<vmem>> -> memref<125x128xf32, #tpu.memory_space<vmem>>
      %dma_wait3A_184 = arith.constant 0 : i32
      %dma_wait3A_185 = tpu.memref_slice %arg8[%add3A_180, %dma_wait3A_184] : memref<40x125xi32, #tpu.memory_space<vmem>> -> memref<1x125xi32, #tpu.memory_space<vmem>>
      %dma_wait3A_186 = tpu.memref_squeeze %dma_wait3A_185 : memref<1x125xi32, #tpu.memory_space<vmem>> -> memref<125xi32, #tpu.memory_space<vmem>>
      %dma_wait3A_187 = arith.constant 0 : i32
      %dma_wait3A_188 = arith.constant 0 : i32
      %dma_wait3A_189 = tpu.memref_slice %arg2[%dma_wait3A_187, %dma_wait3A_188] : memref<10000x128xf32, #tpu.memory_space<hbm>> -> memref<10000x128xf32, #tpu.memory_space<hbm>>
      tpu.wait_indirect_dma semaphore(%arg14 : memref<!tpu.dma_semaphore, #tpu.memory_space<semaphore_mem>>) src(%dma_wait3A_189 : memref<10000x128xf32, #tpu.memory_space<hbm>>) dst(%dma_wait3A_183 : memref<125x128xf32, #tpu.memory_space<vmem>>)
      %add3A_190 = arith.constant 1 : i32
      %add3A_191 = arith.addi %scan3A_150, %add3A_190 : i32
      %lt3A = arith.constant 20 : i32
      %lt3A_192 = arith.cmpi slt, %add3A_191, %lt3A : i32
      %convert_element_type3A_193 = arith.extui %lt3A_192 : i1 to i32
      %cond3A_194 = arith.constant 0 : i32
      %cond3A_195 = arith.cmpi ne, %convert_element_type3A_193, %cond3A_194 : i32
      scf.if %cond3A_195 {
        %add3A_205 = arith.constant 2 : i32
        %add3A_206 = arith.addi %mul3A_152, %add3A_205 : i32
        %dma_start3A_207 = arith.constant 0 : i32
        %dma_start3A_208 = arith.constant 0 : i32
        %dma_start3A_209 = tpu.memref_slice %arg10[%dma_start3A_207, %dma_start3A_208] : memref<128x128xf32, #tpu.memory_space<vmem>> -> memref<125x128xf32, #tpu.memory_space<vmem>>
        %dma_start3A_210 = arith.constant 0 : i32
        %dma_start3A_211 = tpu.memref_slice %arg8[%add3A_206, %dma_start3A_210] : memref<40x125xi32, #tpu.memory_space<vmem>> -> memref<1x125xi32, #tpu.memory_space<vmem>>
        %dma_start3A_212 = tpu.memref_squeeze %dma_start3A_211 : memref<1x125xi32, #tpu.memory_space<vmem>> -> memref<125xi32, #tpu.memory_space<vmem>>
        %dma_start3A_213 = arith.constant 0 : i32
        %dma_start3A_214 = arith.constant 0 : i32
        %dma_start3A_215 = tpu.memref_slice %arg2[%dma_start3A_213, %dma_start3A_214] : memref<10000x128xf32, #tpu.memory_space<hbm>> -> memref<10000x128xf32, #tpu.memory_space<hbm>>
        tpu.enqueue_indirect_dma source(%dma_start3A_215 : memref<10000x128xf32, #tpu.memory_space<hbm>>) target(%dma_start3A_209 : memref<125x128xf32, #tpu.memory_space<vmem>>) offsets(%dma_start3A_212 : memref<125xi32, #tpu.memory_space<vmem>>) semaphore(%arg13 : memref<!tpu.dma_semaphore, #tpu.memory_space<semaphore_mem>>)
      } else {
      }
      %add3A_196 = arith.constant 1 : i32
      %add3A_197 = arith.addi %mul3A_152, %add3A_196 : i32
      "tpu.region"() ({
        %run_scoped3A_205 = tpu.sem_alloc : memref<!tpu.dma_semaphore, #tpu.memory_space<semaphore_mem>>
        %dma_start3A_206 = arith.constant 0 : i32
        %dma_start3A_207 = arith.constant 0 : i32
        %dma_start3A_208 = tpu.memref_slice %arg11[%dma_start3A_206, %dma_start3A_207] : memref<128x128xf32, #tpu.memory_space<vmem>> -> memref<125x128xf32, #tpu.memory_space<vmem>>
        %dma_start3A_209 = arith.constant 0 : i32
        %dma_start3A_210 = tpu.memref_slice %arg9[%add3A_197, %dma_start3A_209] : memref<40x125xi32, #tpu.memory_space<vmem>> -> memref<1x125xi32, #tpu.memory_space<vmem>>
        %dma_start3A_211 = tpu.memref_squeeze %dma_start3A_210 : memref<1x125xi32, #tpu.memory_space<vmem>> -> memref<125xi32, #tpu.memory_space<vmem>>
        %dma_start3A_212 = arith.constant 0 : i32
        %dma_start3A_213 = arith.constant 0 : i32
        %dma_start3A_214 = tpu.memref_slice %arg6[%dma_start3A_212, %dma_start3A_213] : memref<10240x128xf32, #tpu.memory_space<vmem_shared>> -> memref<10240x128xf32, #tpu.memory_space<vmem_shared>>
        tpu.enqueue_indirect_dma source(%dma_start3A_208 : memref<125x128xf32, #tpu.memory_space<vmem>>) target(%dma_start3A_214 : memref<10240x128xf32, #tpu.memory_space<vmem_shared>>) offsets(%dma_start3A_211 : memref<125xi32, #tpu.memory_space<vmem>>) semaphore(%run_scoped3A_205 : memref<!tpu.dma_semaphore, #tpu.memory_space<semaphore_mem>>) {add = true}
        %dma_wait3A_215 = arith.constant 0 : i32
        %dma_wait3A_216 = arith.constant 0 : i32
        %dma_wait3A_217 = tpu.memref_slice %arg11[%dma_wait3A_215, %dma_wait3A_216] : memref<128x128xf32, #tpu.memory_space<vmem>> -> memref<125x128xf32, #tpu.memory_space<vmem>>
        %dma_wait3A_218 = arith.constant 0 : i32
        %dma_wait3A_219 = tpu.memref_slice %arg9[%add3A_197, %dma_wait3A_218] : memref<40x125xi32, #tpu.memory_space<vmem>> -> memref<1x125xi32, #tpu.memory_space<vmem>>
        %dma_wait3A_220 = tpu.memref_squeeze %dma_wait3A_219 : memref<1x125xi32, #tpu.memory_space<vmem>> -> memref<125xi32, #tpu.memory_space<vmem>>
        %dma_wait3A_221 = arith.constant 0 : i32
        %dma_wait3A_222 = arith.constant 0 : i32
        %dma_wait3A_223 = tpu.memref_slice %arg6[%dma_wait3A_221, %dma_wait3A_222] : memref<10240x128xf32, #tpu.memory_space<vmem_shared>> -> memref<10240x128xf32, #tpu.memory_space<vmem_shared>>
        tpu.wait_indirect_dma semaphore(%run_scoped3A_205 : memref<!tpu.dma_semaphore, #tpu.memory_space<semaphore_mem>>) src(%dma_wait3A_217 : memref<125x128xf32, #tpu.memory_space<vmem>>) dst(%dma_wait3A_223 : memref<10240x128xf32, #tpu.memory_space<vmem_shared>>)
        tpu.yield
      }) : () -> ()
      %dma_start3A_198 = arith.constant 0 : i32
      %dma_start3A_199 = tpu.memref_slice %arg12[%dma_start3A_198] : memref<128xf32, #tpu.memory_space<vmem>> -> memref<125xf32, #tpu.memory_space<vmem>>
      %dma_start3A_200 = arith.constant 0 : i32
      %dma_start3A_201 = tpu.memref_slice %arg9[%add3A_197, %dma_start3A_200] : memref<40x125xi32, #tpu.memory_space<vmem>> -> memref<1x125xi32, #tpu.memory_space<vmem>>
      %dma_start3A_202 = tpu.memref_squeeze %dma_start3A_201 : memref<1x125xi32, #tpu.memory_space<vmem>> -> memref<125xi32, #tpu.memory_space<vmem>>
      %dma_start3A_203 = arith.constant 0 : i32
      %dma_start3A_204 = tpu.memref_slice %arg7[%dma_start3A_203] : memref<10240xf32, #tpu.memory_space<vmem_shared>> -> memref<10240xf32, #tpu.memory_space<vmem_shared>>
      tpu.enqueue_indirect_dma source(%dma_start3A_199 : memref<125xf32, #tpu.memory_space<vmem>>) target(%dma_start3A_204 : memref<10240xf32, #tpu.memory_space<vmem_shared>>) offsets(%dma_start3A_202 : memref<125xi32, #tpu.memory_space<vmem>>) semaphore(%arg15 : memref<!tpu.dma_semaphore, #tpu.memory_space<semaphore_mem>>) {add = true}
    }
    %scan3A_112 = arith.constant 20 : i32
    %scan3A_113 = arith.constant 0 : i32
    %scan3A_114 = arith.constant 0 : i32
    %scan3A_115 = arith.constant 40 : i32
    %scan3A_116 = arith.addi %scan3A_114, %scan3A_115 : i32
    %scan3A_117 = arith.constant 1 : i32
    scf.for %scan3A_150 = %scan3A_114 to %scan3A_116 step %scan3A_117  : i32 {
      %dma_wait3A = arith.constant 0 : i32
      %dma_wait3A_151 = arith.constant 0 : i32
      %dma_wait3A_152 = tpu.memref_slice %arg12[%dma_wait3A_151] : memref<128xf32, #tpu.memory_space<vmem>> -> memref<125xf32, #tpu.memory_space<vmem>>
      %dma_wait3A_153 = arith.constant 0 : i32
      %dma_wait3A_154 = tpu.memref_slice %arg9[%dma_wait3A, %dma_wait3A_153] : memref<40x125xi32, #tpu.memory_space<vmem>> -> memref<1x125xi32, #tpu.memory_space<vmem>>
      %dma_wait3A_155 = tpu.memref_squeeze %dma_wait3A_154 : memref<1x125xi32, #tpu.memory_space<vmem>> -> memref<125xi32, #tpu.memory_space<vmem>>
      %dma_wait3A_156 = arith.constant 0 : i32
      %dma_wait3A_157 = tpu.memref_slice %arg7[%dma_wait3A_156] : memref<10240xf32, #tpu.memory_space<vmem_shared>> -> memref<10240xf32, #tpu.memory_space<vmem_shared>>
      tpu.wait_indirect_dma semaphore(%arg15 : memref<!tpu.dma_semaphore, #tpu.memory_space<semaphore_mem>>) src(%dma_wait3A_152 : memref<125xf32, #tpu.memory_space<vmem>>) dst(%dma_wait3A_157 : memref<10240xf32, #tpu.memory_space<vmem_shared>>)
    }
    %scan3A_118 = arith.constant 40 : i32
    %run_scoped3A_119 = arith.constant 0 : i32
    "tpu.region"() ({
      %run_scoped3A_150 = tpu.sem_alloc : memref<!tpu.dma_semaphore, #tpu.memory_space<semaphore_mem>>
      %dma_start3A_151 = arith.constant 40 : i32
      %dma_start3A_152 = arith.constant 0 : i32
      %dma_start3A_153 = tpu.memref_slice %arg3[%run_scoped3A_119, %add3A, %dma_start3A_151, %dma_start3A_152] : memref<2x32x80x125xi32, #tpu.memory_space<hbm>> -> memref<1x1x40x125xi32, #tpu.memory_space<hbm>>
      %dma_start3A_154 = tpu.memref_squeeze %dma_start3A_153 : memref<1x1x40x125xi32, #tpu.memory_space<hbm>> -> memref<40x125xi32, #tpu.memory_space<hbm>>
      %dma_start3A_155 = arith.constant 40 : i32
      %dma_start3A_156 = arith.constant 0 : i32
      %dma_start3A_157 = tpu.memref_slice %arg3[%run_scoped3A_119, %add3A, %dma_start3A_155, %dma_start3A_156] : memref<2x32x80x125xi32, #tpu.memory_space<hbm>> -> memref<1x1x40x125xi32, #tpu.memory_space<hbm>>
      %dma_start3A_158 = tpu.memref_squeeze %dma_start3A_157 : memref<1x1x40x125xi32, #tpu.memory_space<hbm>> -> memref<40x125xi32, #tpu.memory_space<hbm>>
      tpu.enqueue_dma source(%dma_start3A_158 : memref<40x125xi32, #tpu.memory_space<hbm>>) target(%arg8 : memref<40x125xi32, #tpu.memory_space<vmem>>) target_semaphore(%run_scoped3A_150 : memref<!tpu.dma_semaphore, #tpu.memory_space<semaphore_mem>>)
      %dma_wait3A = arith.constant 40 : i32
      %dma_wait3A_159 = arith.constant 0 : i32
      %dma_wait3A_160 = tpu.memref_slice %arg3[%run_scoped3A_119, %add3A, %dma_wait3A, %dma_wait3A_159] : memref<2x32x80x125xi32, #tpu.memory_space<hbm>> -> memref<1x1x40x125xi32, #tpu.memory_space<hbm>>
      %dma_wait3A_161 = tpu.memref_squeeze %dma_wait3A_160 : memref<1x1x40x125xi32, #tpu.memory_space<hbm>> -> memref<40x125xi32, #tpu.memory_space<hbm>>
      %dma_wait3A_162 = arith.constant 40 : i32
      %dma_wait3A_163 = arith.constant 0 : i32
      %dma_wait3A_164 = tpu.memref_slice %arg3[%run_scoped3A_119, %add3A, %dma_wait3A_162, %dma_wait3A_163] : memref<2x32x80x125xi32, #tpu.memory_space<hbm>> -> memref<1x1x40x125xi32, #tpu.memory_space<hbm>>
      %dma_wait3A_165 = tpu.memref_squeeze %dma_wait3A_164 : memref<1x1x40x125xi32, #tpu.memory_space<hbm>> -> memref<40x125xi32, #tpu.memory_space<hbm>>
      tpu.wait_dma2 semaphore(%run_scoped3A_150 : memref<!tpu.dma_semaphore, #tpu.memory_space<semaphore_mem>>) src(%dma_wait3A_165 : memref<40x125xi32, #tpu.memory_space<hbm>>) dst(%arg8 : memref<40x125xi32, #tpu.memory_space<vmem>>)
      tpu.yield
    }) : () -> ()
    %run_scoped3A_120 = arith.constant 1 : i32
    "tpu.region"() ({
      %run_scoped3A_150 = tpu.sem_alloc : memref<!tpu.dma_semaphore, #tpu.memory_space<semaphore_mem>>
      %dma_start3A_151 = arith.constant 40 : i32
      %dma_start3A_152 = arith.constant 0 : i32
      %dma_start3A_153 = tpu.memref_slice %arg3[%run_scoped3A_120, %add3A, %dma_start3A_151, %dma_start3A_152] : memref<2x32x80x125xi32, #tpu.memory_space<hbm>> -> memref<1x1x40x125xi32, #tpu.memory_space<hbm>>
      %dma_start3A_154 = tpu.memref_squeeze %dma_start3A_153 : memref<1x1x40x125xi32, #tpu.memory_space<hbm>> -> memref<40x125xi32, #tpu.memory_space<hbm>>
      %dma_start3A_155 = arith.constant 40 : i32
      %dma_start3A_156 = arith.constant 0 : i32
      %dma_start3A_157 = tpu.memref_slice %arg3[%run_scoped3A_120, %add3A, %dma_start3A_155, %dma_start3A_156] : memref<2x32x80x125xi32, #tpu.memory_space<hbm>> -> memref<1x1x40x125xi32, #tpu.memory_space<hbm>>
      %dma_start3A_158 = tpu.memref_squeeze %dma_start3A_157 : memref<1x1x40x125xi32, #tpu.memory_space<hbm>> -> memref<40x125xi32, #tpu.memory_space<hbm>>
      tpu.enqueue_dma source(%dma_start3A_158 : memref<40x125xi32, #tpu.memory_space<hbm>>) target(%arg9 : memref<40x125xi32, #tpu.memory_space<vmem>>) target_semaphore(%run_scoped3A_150 : memref<!tpu.dma_semaphore, #tpu.memory_space<semaphore_mem>>)
      %dma_wait3A = arith.constant 40 : i32
      %dma_wait3A_159 = arith.constant 0 : i32
      %dma_wait3A_160 = tpu.memref_slice %arg3[%run_scoped3A_120, %add3A, %dma_wait3A, %dma_wait3A_159] : memref<2x32x80x125xi32, #tpu.memory_space<hbm>> -> memref<1x1x40x125xi32, #tpu.memory_space<hbm>>
      %dma_wait3A_161 = tpu.memref_squeeze %dma_wait3A_160 : memref<1x1x40x125xi32, #tpu.memory_space<hbm>> -> memref<40x125xi32, #tpu.memory_space<hbm>>
      %dma_wait3A_162 = arith.constant 40 : i32
      %dma_wait3A_163 = arith.constant 0 : i32
      %dma_wait3A_164 = tpu.memref_slice %arg3[%run_scoped3A_120, %add3A, %dma_wait3A_162, %dma_wait3A_163] : memref<2x32x80x125xi32, #tpu.memory_space<hbm>> -> memref<1x1x40x125xi32, #tpu.memory_space<hbm>>
      %dma_wait3A_165 = tpu.memref_squeeze %dma_wait3A_164 : memref<1x1x40x125xi32, #tpu.memory_space<hbm>> -> memref<40x125xi32, #tpu.memory_space<hbm>>
      tpu.wait_dma2 semaphore(%run_scoped3A_150 : memref<!tpu.dma_semaphore, #tpu.memory_space<semaphore_mem>>) src(%dma_wait3A_165 : memref<40x125xi32, #tpu.memory_space<hbm>>) dst(%arg9 : memref<40x125xi32, #tpu.memory_space<vmem>>)
      tpu.yield
    }) : () -> ()
    %dma_start3A_121 = arith.constant 0 : i32
    %dma_start3A_122 = arith.constant 0 : i32
    %dma_start3A_123 = arith.constant 0 : i32
    %dma_start3A_124 = tpu.memref_slice %arg10[%dma_start3A_122, %dma_start3A_123] : memref<128x128xf32, #tpu.memory_space<vmem>> -> memref<125x128xf32, #tpu.memory_space<vmem>>
    %dma_start3A_125 = arith.constant 0 : i32
    %dma_start3A_126 = tpu.memref_slice %arg8[%dma_start3A_121, %dma_start3A_125] : memref<40x125xi32, #tpu.memory_space<vmem>> -> memref<1x125xi32, #tpu.memory_space<vmem>>
    %dma_start3A_127 = tpu.memref_squeeze %dma_start3A_126 : memref<1x125xi32, #tpu.memory_space<vmem>> -> memref<125xi32, #tpu.memory_space<vmem>>
    %dma_start3A_128 = arith.constant 0 : i32
    %dma_start3A_129 = arith.constant 0 : i32
    %dma_start3A_130 = tpu.memref_slice %arg2[%dma_start3A_128, %dma_start3A_129] : memref<10000x128xf32, #tpu.memory_space<hbm>> -> memref<10000x128xf32, #tpu.memory_space<hbm>>
    tpu.enqueue_indirect_dma source(%dma_start3A_130 : memref<10000x128xf32, #tpu.memory_space<hbm>>) target(%dma_start3A_124 : memref<125x128xf32, #tpu.memory_space<vmem>>) offsets(%dma_start3A_127 : memref<125xi32, #tpu.memory_space<vmem>>) semaphore(%arg13 : memref<!tpu.dma_semaphore, #tpu.memory_space<semaphore_mem>>)
    %scan3A_131 = arith.constant 0 : i32
    %scan3A_132 = arith.constant 0 : i32
    %scan3A_133 = arith.constant 20 : i32
    %scan3A_134 = arith.addi %scan3A_132, %scan3A_133 : i32
    %scan3A_135 = arith.constant 1 : i32
    scf.for %scan3A_150 = %scan3A_132 to %scan3A_134 step %scan3A_135  : i32 {
      %mul3A_151 = arith.constant 2 : i32
      %mul3A_152 = arith.muli %mul3A_151, %scan3A_150 : i32
      %dma_wait3A = arith.constant 0 : i32
      %dma_wait3A_153 = arith.constant 0 : i32
      %dma_wait3A_154 = tpu.memref_slice %arg10[%dma_wait3A, %dma_wait3A_153] : memref<128x128xf32, #tpu.memory_space<vmem>> -> memref<125x128xf32, #tpu.memory_space<vmem>>
      %dma_wait3A_155 = arith.constant 0 : i32
      %dma_wait3A_156 = tpu.memref_slice %arg8[%mul3A_152, %dma_wait3A_155] : memref<40x125xi32, #tpu.memory_space<vmem>> -> memref<1x125xi32, #tpu.memory_space<vmem>>
      %dma_wait3A_157 = tpu.memref_squeeze %dma_wait3A_156 : memref<1x125xi32, #tpu.memory_space<vmem>> -> memref<125xi32, #tpu.memory_space<vmem>>
      %dma_wait3A_158 = arith.constant 0 : i32
      %dma_wait3A_159 = arith.constant 0 : i32
      %dma_wait3A_160 = tpu.memref_slice %arg2[%dma_wait3A_158, %dma_wait3A_159] : memref<10000x128xf32, #tpu.memory_space<hbm>> -> memref<10000x128xf32, #tpu.memory_space<hbm>>
      tpu.wait_indirect_dma semaphore(%arg13 : memref<!tpu.dma_semaphore, #tpu.memory_space<semaphore_mem>>) src(%dma_wait3A_160 : memref<10000x128xf32, #tpu.memory_space<hbm>>) dst(%dma_wait3A_154 : memref<125x128xf32, #tpu.memory_space<vmem>>)
      %add3A_161 = arith.constant 1 : i32
      %add3A_162 = arith.addi %mul3A_152, %add3A_161 : i32
      %dma_start3A_163 = arith.constant 0 : i32
      %dma_start3A_164 = arith.constant 0 : i32
      %dma_start3A_165 = tpu.memref_slice %arg11[%dma_start3A_163, %dma_start3A_164] : memref<128x128xf32, #tpu.memory_space<vmem>> -> memref<125x128xf32, #tpu.memory_space<vmem>>
      %dma_start3A_166 = arith.constant 0 : i32
      %dma_start3A_167 = tpu.memref_slice %arg8[%add3A_162, %dma_start3A_166] : memref<40x125xi32, #tpu.memory_space<vmem>> -> memref<1x125xi32, #tpu.memory_space<vmem>>
      %dma_start3A_168 = tpu.memref_squeeze %dma_start3A_167 : memref<1x125xi32, #tpu.memory_space<vmem>> -> memref<125xi32, #tpu.memory_space<vmem>>
      %dma_start3A_169 = arith.constant 0 : i32
      %dma_start3A_170 = arith.constant 0 : i32
      %dma_start3A_171 = tpu.memref_slice %arg2[%dma_start3A_169, %dma_start3A_170] : memref<10000x128xf32, #tpu.memory_space<hbm>> -> memref<10000x128xf32, #tpu.memory_space<hbm>>
      tpu.enqueue_indirect_dma source(%dma_start3A_171 : memref<10000x128xf32, #tpu.memory_space<hbm>>) target(%dma_start3A_165 : memref<125x128xf32, #tpu.memory_space<vmem>>) offsets(%dma_start3A_168 : memref<125xi32, #tpu.memory_space<vmem>>) semaphore(%arg14 : memref<!tpu.dma_semaphore, #tpu.memory_space<semaphore_mem>>)
      "tpu.region"() ({
        %run_scoped3A_205 = tpu.sem_alloc : memref<!tpu.dma_semaphore, #tpu.memory_space<semaphore_mem>>
        %dma_start3A_206 = arith.constant 0 : i32
        %dma_start3A_207 = arith.constant 0 : i32
        %dma_start3A_208 = tpu.memref_slice %arg10[%dma_start3A_206, %dma_start3A_207] : memref<128x128xf32, #tpu.memory_space<vmem>> -> memref<125x128xf32, #tpu.memory_space<vmem>>
        %dma_start3A_209 = arith.constant 0 : i32
        %dma_start3A_210 = tpu.memref_slice %arg9[%mul3A_152, %dma_start3A_209] : memref<40x125xi32, #tpu.memory_space<vmem>> -> memref<1x125xi32, #tpu.memory_space<vmem>>
        %dma_start3A_211 = tpu.memref_squeeze %dma_start3A_210 : memref<1x125xi32, #tpu.memory_space<vmem>> -> memref<125xi32, #tpu.memory_space<vmem>>
        %dma_start3A_212 = arith.constant 0 : i32
        %dma_start3A_213 = arith.constant 0 : i32
        %dma_start3A_214 = tpu.memref_slice %arg6[%dma_start3A_212, %dma_start3A_213] : memref<10240x128xf32, #tpu.memory_space<vmem_shared>> -> memref<10240x128xf32, #tpu.memory_space<vmem_shared>>
        tpu.enqueue_indirect_dma source(%dma_start3A_208 : memref<125x128xf32, #tpu.memory_space<vmem>>) target(%dma_start3A_214 : memref<10240x128xf32, #tpu.memory_space<vmem_shared>>) offsets(%dma_start3A_211 : memref<125xi32, #tpu.memory_space<vmem>>) semaphore(%run_scoped3A_205 : memref<!tpu.dma_semaphore, #tpu.memory_space<semaphore_mem>>) {add = true}
        %dma_wait3A_215 = arith.constant 0 : i32
        %dma_wait3A_216 = arith.constant 0 : i32
        %dma_wait3A_217 = tpu.memref_slice %arg10[%dma_wait3A_215, %dma_wait3A_216] : memref<128x128xf32, #tpu.memory_space<vmem>> -> memref<125x128xf32, #tpu.memory_space<vmem>>
        %dma_wait3A_218 = arith.constant 0 : i32
        %dma_wait3A_219 = tpu.memref_slice %arg9[%mul3A_152, %dma_wait3A_218] : memref<40x125xi32, #tpu.memory_space<vmem>> -> memref<1x125xi32, #tpu.memory_space<vmem>>
        %dma_wait3A_220 = tpu.memref_squeeze %dma_wait3A_219 : memref<1x125xi32, #tpu.memory_space<vmem>> -> memref<125xi32, #tpu.memory_space<vmem>>
        %dma_wait3A_221 = arith.constant 0 : i32
        %dma_wait3A_222 = arith.constant 0 : i32
        %dma_wait3A_223 = tpu.memref_slice %arg6[%dma_wait3A_221, %dma_wait3A_222] : memref<10240x128xf32, #tpu.memory_space<vmem_shared>> -> memref<10240x128xf32, #tpu.memory_space<vmem_shared>>
        tpu.wait_indirect_dma semaphore(%run_scoped3A_205 : memref<!tpu.dma_semaphore, #tpu.memory_space<semaphore_mem>>) src(%dma_wait3A_217 : memref<125x128xf32, #tpu.memory_space<vmem>>) dst(%dma_wait3A_223 : memref<10240x128xf32, #tpu.memory_space<vmem_shared>>)
        tpu.yield
      }) : () -> ()
      %dma_start3A_172 = arith.constant 0 : i32
      %dma_start3A_173 = tpu.memref_slice %arg12[%dma_start3A_172] : memref<128xf32, #tpu.memory_space<vmem>> -> memref<125xf32, #tpu.memory_space<vmem>>
      %dma_start3A_174 = arith.constant 0 : i32
      %dma_start3A_175 = tpu.memref_slice %arg9[%mul3A_152, %dma_start3A_174] : memref<40x125xi32, #tpu.memory_space<vmem>> -> memref<1x125xi32, #tpu.memory_space<vmem>>
      %dma_start3A_176 = tpu.memref_squeeze %dma_start3A_175 : memref<1x125xi32, #tpu.memory_space<vmem>> -> memref<125xi32, #tpu.memory_space<vmem>>
      %dma_start3A_177 = arith.constant 0 : i32
      %dma_start3A_178 = tpu.memref_slice %arg7[%dma_start3A_177] : memref<10240xf32, #tpu.memory_space<vmem_shared>> -> memref<10240xf32, #tpu.memory_space<vmem_shared>>
      tpu.enqueue_indirect_dma source(%dma_start3A_173 : memref<125xf32, #tpu.memory_space<vmem>>) target(%dma_start3A_178 : memref<10240xf32, #tpu.memory_space<vmem_shared>>) offsets(%dma_start3A_176 : memref<125xi32, #tpu.memory_space<vmem>>) semaphore(%arg15 : memref<!tpu.dma_semaphore, #tpu.memory_space<semaphore_mem>>) {add = true}
      %add3A_179 = arith.constant 1 : i32
      %add3A_180 = arith.addi %mul3A_152, %add3A_179 : i32
      %dma_wait3A_181 = arith.constant 0 : i32
      %dma_wait3A_182 = arith.constant 0 : i32
      %dma_wait3A_183 = tpu.memref_slice %arg11[%dma_wait3A_181, %dma_wait3A_182] : memref<128x128xf32, #tpu.memory_space<vmem>> -> memref<125x128xf32, #tpu.memory_space<vmem>>
      %dma_wait3A_184 = arith.constant 0 : i32
      %dma_wait3A_185 = tpu.memref_slice %arg8[%add3A_180, %dma_wait3A_184] : memref<40x125xi32, #tpu.memory_space<vmem>> -> memref<1x125xi32, #tpu.memory_space<vmem>>
      %dma_wait3A_186 = tpu.memref_squeeze %dma_wait3A_185 : memref<1x125xi32, #tpu.memory_space<vmem>> -> memref<125xi32, #tpu.memory_space<vmem>>
      %dma_wait3A_187 = arith.constant 0 : i32
      %dma_wait3A_188 = arith.constant 0 : i32
      %dma_wait3A_189 = tpu.memref_slice %arg2[%dma_wait3A_187, %dma_wait3A_188] : memref<10000x128xf32, #tpu.memory_space<hbm>> -> memref<10000x128xf32, #tpu.memory_space<hbm>>
      tpu.wait_indirect_dma semaphore(%arg14 : memref<!tpu.dma_semaphore, #tpu.memory_space<semaphore_mem>>) src(%dma_wait3A_189 : memref<10000x128xf32, #tpu.memory_space<hbm>>) dst(%dma_wait3A_183 : memref<125x128xf32, #tpu.memory_space<vmem>>)
      %add3A_190 = arith.constant 1 : i32
      %add3A_191 = arith.addi %scan3A_150, %add3A_190 : i32
      %lt3A = arith.constant 20 : i32
      %lt3A_192 = arith.cmpi slt, %add3A_191, %lt3A : i32
      %convert_element_type3A_193 = arith.extui %lt3A_192 : i1 to i32
      %cond3A_194 = arith.constant 0 : i32
      %cond3A_195 = arith.cmpi ne, %convert_element_type3A_193, %cond3A_194 : i32
      scf.if %cond3A_195 {
        %add3A_205 = arith.constant 2 : i32
        %add3A_206 = arith.addi %mul3A_152, %add3A_205 : i32
        %dma_start3A_207 = arith.constant 0 : i32
        %dma_start3A_208 = arith.constant 0 : i32
        %dma_start3A_209 = tpu.memref_slice %arg10[%dma_start3A_207, %dma_start3A_208] : memref<128x128xf32, #tpu.memory_space<vmem>> -> memref<125x128xf32, #tpu.memory_space<vmem>>
        %dma_start3A_210 = arith.constant 0 : i32
        %dma_start3A_211 = tpu.memref_slice %arg8[%add3A_206, %dma_start3A_210] : memref<40x125xi32, #tpu.memory_space<vmem>> -> memref<1x125xi32, #tpu.memory_space<vmem>>
        %dma_start3A_212 = tpu.memref_squeeze %dma_start3A_211 : memref<1x125xi32, #tpu.memory_space<vmem>> -> memref<125xi32, #tpu.memory_space<vmem>>
        %dma_start3A_213 = arith.constant 0 : i32
        %dma_start3A_214 = arith.constant 0 : i32
        %dma_start3A_215 = tpu.memref_slice %arg2[%dma_start3A_213, %dma_start3A_214] : memref<10000x128xf32, #tpu.memory_space<hbm>> -> memref<10000x128xf32, #tpu.memory_space<hbm>>
        tpu.enqueue_indirect_dma source(%dma_start3A_215 : memref<10000x128xf32, #tpu.memory_space<hbm>>) target(%dma_start3A_209 : memref<125x128xf32, #tpu.memory_space<vmem>>) offsets(%dma_start3A_212 : memref<125xi32, #tpu.memory_space<vmem>>) semaphore(%arg13 : memref<!tpu.dma_semaphore, #tpu.memory_space<semaphore_mem>>)
      } else {
      }
      %add3A_196 = arith.constant 1 : i32
      %add3A_197 = arith.addi %mul3A_152, %add3A_196 : i32
      "tpu.region"() ({
        %run_scoped3A_205 = tpu.sem_alloc : memref<!tpu.dma_semaphore, #tpu.memory_space<semaphore_mem>>
        %dma_start3A_206 = arith.constant 0 : i32
        %dma_start3A_207 = arith.constant 0 : i32
        %dma_start3A_208 = tpu.memref_slice %arg11[%dma_start3A_206, %dma_start3A_207] : memref<128x128xf32, #tpu.memory_space<vmem>> -> memref<125x128xf32, #tpu.memory_space<vmem>>
        %dma_start3A_209 = arith.constant 0 : i32
        %dma_start3A_210 = tpu.memref_slice %arg9[%add3A_197, %dma_start3A_209] : memref<40x125xi32, #tpu.memory_space<vmem>> -> memref<1x125xi32, #tpu.memory_space<vmem>>
        %dma_start3A_211 = tpu.memref_squeeze %dma_start3A_210 : memref<1x125xi32, #tpu.memory_space<vmem>> -> memref<125xi32, #tpu.memory_space<vmem>>
        %dma_start3A_212 = arith.constant 0 : i32
        %dma_start3A_213 = arith.constant 0 : i32
        %dma_start3A_214 = tpu.memref_slice %arg6[%dma_start3A_212, %dma_start3A_213] : memref<10240x128xf32, #tpu.memory_space<vmem_shared>> -> memref<10240x128xf32, #tpu.memory_space<vmem_shared>>
        tpu.enqueue_indirect_dma source(%dma_start3A_208 : memref<125x128xf32, #tpu.memory_space<vmem>>) target(%dma_start3A_214 : memref<10240x128xf32, #tpu.memory_space<vmem_shared>>) offsets(%dma_start3A_211 : memref<125xi32, #tpu.memory_space<vmem>>) semaphore(%run_scoped3A_205 : memref<!tpu.dma_semaphore, #tpu.memory_space<semaphore_mem>>) {add = true}
        %dma_wait3A_215 = arith.constant 0 : i32
        %dma_wait3A_216 = arith.constant 0 : i32
        %dma_wait3A_217 = tpu.memref_slice %arg11[%dma_wait3A_215, %dma_wait3A_216] : memref<128x128xf32, #tpu.memory_space<vmem>> -> memref<125x128xf32, #tpu.memory_space<vmem>>
        %dma_wait3A_218 = arith.constant 0 : i32
        %dma_wait3A_219 = tpu.memref_slice %arg9[%add3A_197, %dma_wait3A_218] : memref<40x125xi32, #tpu.memory_space<vmem>> -> memref<1x125xi32, #tpu.memory_space<vmem>>
        %dma_wait3A_220 = tpu.memref_squeeze %dma_wait3A_219 : memref<1x125xi32, #tpu.memory_space<vmem>> -> memref<125xi32, #tpu.memory_space<vmem>>
        %dma_wait3A_221 = arith.constant 0 : i32
        %dma_wait3A_222 = arith.constant 0 : i32
        %dma_wait3A_223 = tpu.memref_slice %arg6[%dma_wait3A_221, %dma_wait3A_222] : memref<10240x128xf32, #tpu.memory_space<vmem_shared>> -> memref<10240x128xf32, #tpu.memory_space<vmem_shared>>
        tpu.wait_indirect_dma semaphore(%run_scoped3A_205 : memref<!tpu.dma_semaphore, #tpu.memory_space<semaphore_mem>>) src(%dma_wait3A_217 : memref<125x128xf32, #tpu.memory_space<vmem>>) dst(%dma_wait3A_223 : memref<10240x128xf32, #tpu.memory_space<vmem_shared>>)
        tpu.yield
      }) : () -> ()
      %dma_start3A_198 = arith.constant 0 : i32
      %dma_start3A_199 = tpu.memref_slice %arg12[%dma_start3A_198] : memref<128xf32, #tpu.memory_space<vmem>> -> memref<125xf32, #tpu.memory_space<vmem>>
      %dma_start3A_200 = arith.constant 0 : i32
      %dma_start3A_201 = tpu.memref_slice %arg9[%add3A_197, %dma_start3A_200] : memref<40x125xi32, #tpu.memory_space<vmem>> -> memref<1x125xi32, #tpu.memory_space<vmem>>
      %dma_start3A_202 = tpu.memref_squeeze %dma_start3A_201 : memref<1x125xi32, #tpu.memory_space<vmem>> -> memref<125xi32, #tpu.memory_space<vmem>>
      %dma_start3A_203 = arith.constant 0 : i32
      %dma_start3A_204 = tpu.memref_slice %arg7[%dma_start3A_203] : memref<10240xf32, #tpu.memory_space<vmem_shared>> -> memref<10240xf32, #tpu.memory_space<vmem_shared>>
      tpu.enqueue_indirect_dma source(%dma_start3A_199 : memref<125xf32, #tpu.memory_space<vmem>>) target(%dma_start3A_204 : memref<10240xf32, #tpu.memory_space<vmem_shared>>) offsets(%dma_start3A_202 : memref<125xi32, #tpu.memory_space<vmem>>) semaphore(%arg15 : memref<!tpu.dma_semaphore, #tpu.memory_space<semaphore_mem>>) {add = true}
    }
    %scan3A_136 = arith.constant 20 : i32
    %scan3A_137 = arith.constant 0 : i32
    %scan3A_138 = arith.constant 0 : i32
    %scan3A_139 = arith.constant 40 : i32
    %scan3A_140 = arith.addi %scan3A_138, %scan3A_139 : i32
    %scan3A_141 = arith.constant 1 : i32
    scf.for %scan3A_150 = %scan3A_138 to %scan3A_140 step %scan3A_141  : i32 {
      %dma_wait3A = arith.constant 0 : i32
      %dma_wait3A_151 = arith.constant 0 : i32
      %dma_wait3A_152 = tpu.memref_slice %arg12[%dma_wait3A_151] : memref<128xf32, #tpu.memory_space<vmem>> -> memref<125xf32, #tpu.memory_space<vmem>>
      %dma_wait3A_153 = arith.constant 0 : i32
      %dma_wait3A_154 = tpu.memref_slice %arg9[%dma_wait3A, %dma_wait3A_153] : memref<40x125xi32, #tpu.memory_space<vmem>> -> memref<1x125xi32, #tpu.memory_space<vmem>>
      %dma_wait3A_155 = tpu.memref_squeeze %dma_wait3A_154 : memref<1x125xi32, #tpu.memory_space<vmem>> -> memref<125xi32, #tpu.memory_space<vmem>>
      %dma_wait3A_156 = arith.constant 0 : i32
      %dma_wait3A_157 = tpu.memref_slice %arg7[%dma_wait3A_156] : memref<10240xf32, #tpu.memory_space<vmem_shared>> -> memref<10240xf32, #tpu.memory_space<vmem_shared>>
      tpu.wait_indirect_dma semaphore(%arg15 : memref<!tpu.dma_semaphore, #tpu.memory_space<semaphore_mem>>) src(%dma_wait3A_152 : memref<125xf32, #tpu.memory_space<vmem>>) dst(%dma_wait3A_157 : memref<10240xf32, #tpu.memory_space<vmem_shared>>)
    }
    %scan3A_142 = arith.constant 40 : i32
    %barrier3A_143 = arith.constant 0 : index
    tpu.barrier barrier_id(%barrier3A_143)
    %mul3A_144 = arith.constant 640 : i32
    %mul3A_145 = arith.muli %arg1, %mul3A_144 : i32
    %mul3A_146 = arith.constant 640 : i32
    %mul3A_147 = arith.muli %arg1, %mul3A_146 : i32
    "tpu.region"() ({
      %run_scoped3A_150 = tpu.sem_alloc : memref<!tpu.dma_semaphore, #tpu.memory_space<semaphore_mem>>
      %dma_start3A_151 = arith.constant 0 : i32
      %dma_start3A_152 = tpu.memref_slice %arg4[%arg0, %mul3A_147, %dma_start3A_151] : memref<2x10240x128xf32, #tpu.memory_space<hbm>> -> memref<1x640x128xf32, #tpu.memory_space<hbm>>
      %dma_start3A_153 = tpu.memref_squeeze %dma_start3A_152 : memref<1x640x128xf32, #tpu.memory_space<hbm>> -> memref<640x128xf32, #tpu.memory_space<hbm>>
      %dma_start3A_154 = arith.constant 0 : i32
      %dma_start3A_155 = tpu.memref_slice %arg6[%mul3A_145, %dma_start3A_154] : memref<10240x128xf32, #tpu.memory_space<vmem_shared>> -> memref<640x128xf32, #tpu.memory_space<vmem_shared>>
      tpu.enqueue_dma source(%dma_start3A_155 : memref<640x128xf32, #tpu.memory_space<vmem_shared>>) target(%dma_start3A_153 : memref<640x128xf32, #tpu.memory_space<hbm>>) target_semaphore(%run_scoped3A_150 : memref<!tpu.dma_semaphore, #tpu.memory_space<semaphore_mem>>)
      %dma_wait3A = arith.constant 0 : i32
      %dma_wait3A_156 = tpu.memref_slice %arg4[%arg0, %mul3A_147, %dma_wait3A] : memref<2x10240x128xf32, #tpu.memory_space<hbm>> -> memref<1x640x128xf32, #tpu.memory_space<hbm>>
      %dma_wait3A_157 = tpu.memref_squeeze %dma_wait3A_156 : memref<1x640x128xf32, #tpu.memory_space<hbm>> -> memref<640x128xf32, #tpu.memory_space<hbm>>
      %dma_wait3A_158 = arith.constant 0 : i32
      %dma_wait3A_159 = tpu.memref_slice %arg6[%mul3A_145, %dma_wait3A_158] : memref<10240x128xf32, #tpu.memory_space<vmem_shared>> -> memref<640x128xf32, #tpu.memory_space<vmem_shared>>
      tpu.wait_dma2 semaphore(%run_scoped3A_150 : memref<!tpu.dma_semaphore, #tpu.memory_space<semaphore_mem>>) src(%dma_wait3A_159 : memref<640x128xf32, #tpu.memory_space<vmem_shared>>) dst(%dma_wait3A_157 : memref<640x128xf32, #tpu.memory_space<hbm>>)
      tpu.yield
    }) : () -> ()
    %eq3A = arith.constant 0 : i32
    %eq3A_148 = arith.cmpi eq, %arg1, %eq3A : i32
    %convert_element_type3A = arith.extui %eq3A_148 : i1 to i32
    %cond3A = arith.constant 0 : i32
    %cond3A_149 = arith.cmpi ne, %convert_element_type3A, %cond3A : i32
    scf.if %cond3A_149 {
      "tpu.region"() ({
        %run_scoped3A_150 = tpu.sem_alloc : memref<!tpu.dma_semaphore, #tpu.memory_space<semaphore_mem>>
        %dma_start3A_151 = arith.constant 0 : i32
        %dma_start3A_152 = tpu.memref_slice %arg5[%arg0, %dma_start3A_151] : memref<2x10240xf32, #tpu.memory_space<hbm>> -> memref<1x10240xf32, #tpu.memory_space<hbm>>
        %dma_start3A_153 = tpu.memref_squeeze %dma_start3A_152 : memref<1x10240xf32, #tpu.memory_space<hbm>> -> memref<10240xf32, #tpu.memory_space<hbm>>
        tpu.enqueue_dma source(%arg7 : memref<10240xf32, #tpu.memory_space<vmem_shared>>) target(%dma_start3A_153 : memref<10240xf32, #tpu.memory_space<hbm>>) target_semaphore(%run_scoped3A_150 : memref<!tpu.dma_semaphore, #tpu.memory_space<semaphore_mem>>)
        %dma_wait3A = arith.constant 0 : i32
        %dma_wait3A_154 = tpu.memref_slice %arg5[%arg0, %dma_wait3A] : memref<2x10240xf32, #tpu.memory_space<hbm>> -> memref<1x10240xf32, #tpu.memory_space<hbm>>
        %dma_wait3A_155 = tpu.memref_squeeze %dma_wait3A_154 : memref<1x10240xf32, #tpu.memory_space<hbm>> -> memref<10240xf32, #tpu.memory_space<hbm>>
        tpu.wait_dma2 semaphore(%run_scoped3A_150 : memref<!tpu.dma_semaphore, #tpu.memory_space<semaphore_mem>>) src(%arg7 : memref<10240xf32, #tpu.memory_space<vmem_shared>>) dst(%dma_wait3A_155 : memref<10240xf32, #tpu.memory_space<hbm>>)
        tpu.yield
      }) : () -> ()
    } else {
    }
    return
  }
}

module attributes {stable_mosaic.version = 14 : i64} {
  func.func @_tc_body(%arg0: i32, %arg1: memref<2x1024x128xf32, #tpu.memory_space<vmem>>, %arg2: memref<2x1024xf32, #tpu.memory_space<vmem>>, %arg3: memref<1024x128xf32, #tpu.memory_space<vmem>>, %arg4: memref<1024x1xi32, #tpu.memory_space<vmem>>, %arg5: memref<128x128xf32, #tpu.memory_space<vmem>>, %arg6: memref<1x128xf32, #tpu.memory_space<vmem>>, %arg7: memref<128x128xf32, #tpu.memory_space<vmem>>, %arg8: memref<512x128xf32, #tpu.memory_space<vmem>>, %arg9: memref<1x512xf32, #tpu.memory_space<vmem>>, %arg10: memref<128x512xf32, #tpu.memory_space<vmem>>, %arg11: memref<1x128xf32, #tpu.memory_space<vmem>>, %arg12: memref<64x128xf32, #tpu.memory_space<vmem>>) attributes {dimension_semantics = [#tpu.dimension_semantics<arbitrary>], iteration_bounds = array<i64: 10>, scalar_prefetch = 0 : i64, scratch_operands = 0 : i64, tpu.core_type = #tpu.core_type<tc>, window_params = [{transform_indices = @transform_0, window_bounds = array<i64: 2, 1024, 128>}, {transform_indices = @transform_1, window_bounds = array<i64: 2, 1024>}, {transform_indices = @transform_2, window_bounds = array<i64: 1024, 128>}, {transform_indices = @transform_3, window_bounds = array<i64: 1024, 1>}, {pipeline_mode = #tpu.pipeline_mode<synchronous>, transform_indices = @transform_4, window_bounds = array<i64: 128, 128>}, {pipeline_mode = #tpu.pipeline_mode<synchronous>, transform_indices = @transform_5, window_bounds = array<i64: 1, 128>}, {pipeline_mode = #tpu.pipeline_mode<synchronous>, transform_indices = @transform_6, window_bounds = array<i64: 128, 128>}, {pipeline_mode = #tpu.pipeline_mode<synchronous>, transform_indices = @transform_7, window_bounds = array<i64: 512, 128>}, {pipeline_mode = #tpu.pipeline_mode<synchronous>, transform_indices = @transform_8, window_bounds = array<i64: 1, 512>}, {pipeline_mode = #tpu.pipeline_mode<synchronous>, transform_indices = @transform_9, window_bounds = array<i64: 128, 512>}, {pipeline_mode = #tpu.pipeline_mode<synchronous>, transform_indices = @transform_10, window_bounds = array<i64: 1, 128>}, {pipeline_mode = #tpu.pipeline_mode<synchronous>, transform_indices = @transform_11, window_bounds = array<i64: 64, 128>}]} {
    %eq3A = arith.constant 0 : i32
    %eq3A_0 = arith.cmpi eq, %arg0, %eq3A : i32
    %convert_element_type3A = arith.extui %eq3A_0 : i1 to i32
    %cond3A = arith.constant 0 : i32
    %cond3A_1 = arith.cmpi ne, %convert_element_type3A, %cond3A : i32
    scf.if %cond3A_1 {
      %broadcast_in_dim3A_96 = arith.constant 0xFF800000 : f32
      %broadcast_in_dim3A_97 = vector.broadcast %broadcast_in_dim3A_96 : f32 to vector<64x128xf32>
      %swap3A = arith.constant 0 : index
      %swap3A_98 = arith.constant 0 : index
      %swap3A_99 = vector.load %arg12[%swap3A, %swap3A_98] : memref<64x128xf32, #tpu.memory_space<vmem>>, vector<64x128xf32>
      tpu.vector_store %arg12[%swap3A, %swap3A_98], %broadcast_in_dim3A_97 {strides = array<i32>} : memref<64x128xf32, #tpu.memory_space<vmem>>, vector<64x128xf32>,
    } else {
    }
    %get3A = arith.constant 0 : index
    %get3A_2 = arith.constant 0 : index
    %get3A_3 = arith.constant 0 : index
    %get3A_4 = vector.load %arg1[%get3A, %get3A_2, %get3A_3] : memref<2x1024x128xf32, #tpu.memory_space<vmem>>, vector<1x1024x128xf32>
    %get3A_5 = vector.shape_cast %get3A_4 : vector<1x1024x128xf32> to vector<1024x128xf32>
    %get3A_6 = arith.constant 1 : index
    %get3A_7 = arith.constant 0 : index
    %get3A_8 = arith.constant 0 : index
    %get3A_9 = vector.load %arg1[%get3A_6, %get3A_7, %get3A_8] : memref<2x1024x128xf32, #tpu.memory_space<vmem>>, vector<1x1024x128xf32>
    %get3A_10 = vector.shape_cast %get3A_9 : vector<1x1024x128xf32> to vector<1024x128xf32>
    %add3A = arith.addf %get3A_5, %get3A_10 : vector<1024x128xf32>
    %get3A_11 = arith.constant 0 : index
    %get3A_12 = arith.constant 0 : index
    %get3A_13 = vector.load %arg2[%get3A_11, %get3A_12] : memref<2x1024xf32, #tpu.memory_space<vmem>>, vector<1x1024xf32>
    %get3A_14 = vector.shape_cast %get3A_13 : vector<1x1024xf32> to vector<1024xf32>
    %get3A_15 = arith.constant 1 : index
    %get3A_16 = arith.constant 0 : index
    %get3A_17 = vector.load %arg2[%get3A_15, %get3A_16] : memref<2x1024xf32, #tpu.memory_space<vmem>>, vector<1x1024xf32>
    %get3A_18 = vector.shape_cast %get3A_17 : vector<1x1024xf32> to vector<1024xf32>
    %add3A_19 = arith.addf %get3A_14, %get3A_18 : vector<1024xf32>
    %max3A = arith.constant 1.000000e+00 : f32
    %max3A_20 = vector.broadcast %max3A : f32 to vector<1024xf32>
    %max3A_21 = arith.maximumf %add3A_19, %max3A_20 : vector<1024xf32>
    %broadcast_in_dim3A = vector.shape_cast %max3A_21 : vector<1024xf32> to vector<1024x1xf32>
    %div3A = vector.broadcast %broadcast_in_dim3A : vector<1024x1xf32> to vector<1024x128xf32>
    %div3A_22 = arith.divf %add3A, %div3A : vector<1024x128xf32>
    %convert_element_type3A_23 = arith.truncf %div3A_22 : vector<1024x128xf32> to vector<1024x128xbf16>
    %get3A_24 = arith.constant 0 : index
    %get3A_25 = arith.constant 0 : index
    %get3A_26 = vector.load %arg5[%get3A_24, %get3A_25] : memref<128x128xf32, #tpu.memory_space<vmem>>, vector<128x128xf32>
    %convert_element_type3A_27 = arith.truncf %get3A_26 : vector<128x128xf32> to vector<128x128xbf16>
    %dot_general3A = arith.constant dense<0.000000e+00> : vector<1024x128xf32>
    %dot_general3A_28 = tpu.matmul %convert_element_type3A_23, %convert_element_type3A_27, %dot_general3A {dimension_numbers = #tpu.dot_dimension_numbers<[1], [1], [0], [0], [0, 0, 1, 0], [], []>, transpose_lhs_hint = false} : vector<1024x128xbf16>, vector<128x128xbf16>, vector<1024x128xf32> -> vector<1024x128xf32>
    %get3A_29 = arith.constant 0 : index
    %get3A_30 = arith.constant 0 : index
    %get3A_31 = vector.load %arg6[%get3A_29, %get3A_30] : memref<1x128xf32, #tpu.memory_space<vmem>>, vector<1x128xf32>
    %add3A_32 = vector.broadcast %get3A_31 : vector<1x128xf32> to vector<1024x128xf32>
    %add3A_33 = arith.addf %dot_general3A_28, %add3A_32 : vector<1024x128xf32>
    %get3A_34 = arith.constant 0 : index
    %get3A_35 = arith.constant 0 : index
    %get3A_36 = vector.load %arg3[%get3A_34, %get3A_35] : memref<1024x128xf32, #tpu.memory_space<vmem>>, vector<1024x128xf32>
    %convert_element_type3A_37 = arith.truncf %get3A_36 : vector<1024x128xf32> to vector<1024x128xbf16>
    %get3A_38 = arith.constant 0 : index
    %get3A_39 = arith.constant 0 : index
    %get3A_40 = vector.load %arg7[%get3A_38, %get3A_39] : memref<128x128xf32, #tpu.memory_space<vmem>>, vector<128x128xf32>
    %convert_element_type3A_41 = arith.truncf %get3A_40 : vector<128x128xf32> to vector<128x128xbf16>
    %dot_general3A_42 = arith.constant dense<0.000000e+00> : vector<1024x128xf32>
    %dot_general3A_43 = tpu.matmul %convert_element_type3A_37, %convert_element_type3A_41, %dot_general3A_42 {dimension_numbers = #tpu.dot_dimension_numbers<[1], [1], [0], [0], [0, 0, 1, 0], [], []>, transpose_lhs_hint = false} : vector<1024x128xbf16>, vector<128x128xbf16>, vector<1024x128xf32> -> vector<1024x128xf32>
    %add3A_44 = arith.addf %add3A_33, %dot_general3A_43 : vector<1024x128xf32>
    %max3A_45 = arith.constant 0.000000e+00 : f32
    %max3A_46 = vector.broadcast %max3A_45 : f32 to vector<1024x128xf32>
    %max3A_47 = arith.maximumf %add3A_44, %max3A_46 : vector<1024x128xf32>
    %convert_element_type3A_48 = arith.truncf %max3A_47 : vector<1024x128xf32> to vector<1024x128xbf16>
    %get3A_49 = arith.constant 0 : index
    %get3A_50 = arith.constant 0 : index
    %get3A_51 = vector.load %arg8[%get3A_49, %get3A_50] : memref<512x128xf32, #tpu.memory_space<vmem>>, vector<512x128xf32>
    %convert_element_type3A_52 = arith.truncf %get3A_51 : vector<512x128xf32> to vector<512x128xbf16>
    %dot_general3A_53 = arith.constant dense<0.000000e+00> : vector<1024x512xf32>
    %dot_general3A_54 = tpu.matmul %convert_element_type3A_48, %convert_element_type3A_52, %dot_general3A_53 {dimension_numbers = #tpu.dot_dimension_numbers<[1], [1], [0], [0], [0, 0, 1, 0], [], []>, transpose_lhs_hint = false} : vector<1024x128xbf16>, vector<512x128xbf16>, vector<1024x512xf32> -> vector<1024x512xf32>
    %get3A_55 = arith.constant 0 : index
    %get3A_56 = arith.constant 0 : index
    %get3A_57 = vector.load %arg9[%get3A_55, %get3A_56] : memref<1x512xf32, #tpu.memory_space<vmem>>, vector<1x512xf32>
    %add3A_58 = vector.broadcast %get3A_57 : vector<1x512xf32> to vector<1024x512xf32>
    %add3A_59 = arith.addf %dot_general3A_54, %add3A_58 : vector<1024x512xf32>
    %max3A_60 = arith.constant 0.000000e+00 : f32
    %max3A_61 = vector.broadcast %max3A_60 : f32 to vector<1024x512xf32>
    %max3A_62 = arith.maximumf %add3A_59, %max3A_61 : vector<1024x512xf32>
    %convert_element_type3A_63 = arith.truncf %max3A_62 : vector<1024x512xf32> to vector<1024x512xbf16>
    %get3A_64 = arith.constant 0 : index
    %get3A_65 = arith.constant 0 : index
    %get3A_66 = vector.load %arg10[%get3A_64, %get3A_65] : memref<128x512xf32, #tpu.memory_space<vmem>>, vector<128x512xf32>
    %convert_element_type3A_67 = arith.truncf %get3A_66 : vector<128x512xf32> to vector<128x512xbf16>
    %dot_general3A_68 = arith.constant dense<0.000000e+00> : vector<1024x128xf32>
    %dot_general3A_69 = tpu.matmul %convert_element_type3A_63, %convert_element_type3A_67, %dot_general3A_68 {dimension_numbers = #tpu.dot_dimension_numbers<[1], [1], [0], [0], [0, 0, 1, 0], [], []>, transpose_lhs_hint = false} : vector<1024x512xbf16>, vector<128x512xbf16>, vector<1024x128xf32> -> vector<1024x128xf32>
    %get3A_70 = arith.constant 0 : index
    %get3A_71 = arith.constant 0 : index
    %get3A_72 = vector.load %arg11[%get3A_70, %get3A_71] : memref<1x128xf32, #tpu.memory_space<vmem>>, vector<1x128xf32>
    %add3A_73 = vector.broadcast %get3A_72 : vector<1x128xf32> to vector<1024x128xf32>
    %add3A_74 = arith.addf %dot_general3A_69, %add3A_73 : vector<1024x128xf32>
    %logistic3A = arith.negf %add3A_74 : vector<1024x128xf32>
    %logistic3A_75 = math.exp %logistic3A : vector<1024x128xf32>
    %logistic3A_76 = arith.constant 1.000000e+00 : f32
    %logistic3A_77 = vector.broadcast %logistic3A_76 : f32 to vector<1024x128xf32>
    %logistic3A_78 = arith.addf %logistic3A_77, %logistic3A_75 : vector<1024x128xf32>
    %logistic3A_79 = arith.divf %logistic3A_77, %logistic3A_78 : vector<1024x128xf32>
    %get3A_80 = arith.constant 0 : index
    %get3A_81 = arith.constant 0 : index
    %get3A_82 = vector.load %arg4[%get3A_80, %get3A_81] : memref<1024x1xi32, #tpu.memory_space<vmem>>, vector<1024x1xi32>
    %slice3A = vector.extract_strided_slice %get3A_82 {offsets = [0, 0], sizes = [1, 1], strides = [1, 1]} : vector<1024x1xi32> to vector<1x1xi32>
    %squeeze3A = vector.extract %slice3A[0, 0] : i32 from vector<1x1xi32>
    %slice3A_83 = vector.extract_strided_slice %get3A_82 {offsets = [1023, 0], sizes = [1, 1], strides = [1, 1]} : vector<1024x1xi32> to vector<1x1xi32>
    %squeeze3A_84 = vector.extract %slice3A_83[0, 0] : i32 from vector<1x1xi32>
    %min3A = arith.constant 63 : i32
    %min3A_85 = arith.minsi %squeeze3A_84, %min3A : i32
    %add3A_86 = arith.constant 1 : i32
    %add3A_87 = arith.addi %min3A_85, %add3A_86 : i32
    %while3A = arith.constant 0 : i32
    %while3A_88 = arith.subi %add3A_87, %squeeze3A : i32
    %while3A_89 = arith.addi %squeeze3A, %while3A_88 : i32
    %while3A_90 = arith.constant 1 : i32
    %while3A_91 = arith.divsi %while3A_88, %while3A_90 : i32
    %while3A_92 = arith.muli %while3A_91, %while3A_90 : i32
    %while3A_93 = arith.addi %squeeze3A, %while3A_92 : i32
    %while3A_94 = arith.constant 1 : i32
    scf.for %while3A_96 = %squeeze3A to %while3A_93 step %while3A_94  : i32 {
      %eq3A_97 = vector.broadcast %while3A_96 : i32 to vector<1024x1xi32>
      %eq3A_98 = arith.cmpi eq, %get3A_82, %eq3A_97 : vector<1024x1xi32>
      %jit3A = arith.constant 0xFF800000 : f32
      %broadcast_in_dim3A_99 = vector.shape_cast %eq3A_98 : vector<1024x1xi1> to vector<1024x1xi1>
      %broadcast_in_dim3A_100 = vector.broadcast %broadcast_in_dim3A_99 : vector<1024x1xi1> to vector<1024x128xi1>
      %broadcast_in_dim3A_101 = vector.broadcast %jit3A : f32 to vector<1024x128xf32>
      %select_n3A = arith.select %broadcast_in_dim3A_100, %logistic3A_79, %broadcast_in_dim3A_101 : vector<1024x128xi1>, vector<1024x128xf32>
      %reduce_max3A = arith.constant dense<0xFF800000> : vector<128xf32>
      %reduce_max3A_102 = vector.multi_reduction <maximumf>, %select_n3A, %reduce_max3A [0] : vector<1024x128xf32> to vector<128xf32>
      %broadcast_in_dim3A_103 = vector.shape_cast %reduce_max3A_102 : vector<128xf32> to vector<1x128xf32>
      %get3A_104 = arith.index_cast %while3A_96 : i32 to index
      %get3A_105 = arith.constant 0 : index
      %get3A_106 = vector.load %arg12[%get3A_104, %get3A_105] : memref<64x128xf32, #tpu.memory_space<vmem>>, vector<1x128xf32>
      %max3A_107 = arith.maximumf %get3A_106, %broadcast_in_dim3A_103 : vector<1x128xf32>
      %swap3A = arith.index_cast %while3A_96 : i32 to index
      %swap3A_108 = arith.constant 0 : index
      %swap3A_109 = vector.load %arg12[%swap3A, %swap3A_108] : memref<64x128xf32, #tpu.memory_space<vmem>>, vector<1x128xf32>
      tpu.vector_store %arg12[%swap3A, %swap3A_108], %max3A_107 {strides = array<i32>} : memref<64x128xf32, #tpu.memory_space<vmem>>, vector<1x128xf32>,
    }
    %while3A_95 = arith.constant 1 : i32
    scf.for %while3A_96 = %while3A_93 to %while3A_89 step %while3A_95  : i32 {
      %eq3A_97 = vector.broadcast %while3A_96 : i32 to vector<1024x1xi32>
      %eq3A_98 = arith.cmpi eq, %get3A_82, %eq3A_97 : vector<1024x1xi32>
      %jit3A = arith.constant 0xFF800000 : f32
      %broadcast_in_dim3A_99 = vector.shape_cast %eq3A_98 : vector<1024x1xi1> to vector<1024x1xi1>
      %broadcast_in_dim3A_100 = vector.broadcast %broadcast_in_dim3A_99 : vector<1024x1xi1> to vector<1024x128xi1>
      %broadcast_in_dim3A_101 = vector.broadcast %jit3A : f32 to vector<1024x128xf32>
      %select_n3A = arith.select %broadcast_in_dim3A_100, %logistic3A_79, %broadcast_in_dim3A_101 : vector<1024x128xi1>, vector<1024x128xf32>
      %reduce_max3A = arith.constant dense<0xFF800000> : vector<128xf32>
      %reduce_max3A_102 = vector.multi_reduction <maximumf>, %select_n3A, %reduce_max3A [0] : vector<1024x128xf32> to vector<128xf32>
      %broadcast_in_dim3A_103 = vector.shape_cast %reduce_max3A_102 : vector<128xf32> to vector<1x128xf32>
      %get3A_104 = arith.index_cast %while3A_96 : i32 to index
      %get3A_105 = arith.constant 0 : index
      %get3A_106 = vector.load %arg12[%get3A_104, %get3A_105] : memref<64x128xf32, #tpu.memory_space<vmem>>, vector<1x128xf32>
      %max3A_107 = arith.maximumf %get3A_106, %broadcast_in_dim3A_103 : vector<1x128xf32>
      %swap3A = arith.index_cast %while3A_96 : i32 to index
      %swap3A_108 = arith.constant 0 : index
      %swap3A_109 = vector.load %arg12[%swap3A, %swap3A_108] : memref<64x128xf32, #tpu.memory_space<vmem>>, vector<1x128xf32>
      tpu.vector_store %arg12[%swap3A, %swap3A_108], %max3A_107 {strides = array<i32>} : memref<64x128xf32, #tpu.memory_space<vmem>>, vector<1x128xf32>,
    }
    return
  }
  func.func @transform_0(%arg0: i32) -> (i32, i32, i32) {
    %c0_i32 = arith.constant 0 : i32
    %c0_i32_0 = arith.constant 0 : i32
    %c0_i32_1 = arith.constant 0 : i32
    return %c0_i32, %arg0, %c0_i32_0 : i32, i32, i32
  }
  func.func @transform_1(%arg0: i32) -> (i32, i32) {
    %c0_i32 = arith.constant 0 : i32
    %c0_i32_0 = arith.constant 0 : i32
    return %c0_i32, %arg0 : i32, i32
  }
  func.func @transform_2(%arg0: i32) -> (i32, i32) {
    %c0_i32 = arith.constant 0 : i32
    %c0_i32_0 = arith.constant 0 : i32
    return %arg0, %c0_i32 : i32, i32
  }
  func.func @transform_3(%arg0: i32) -> (i32, i32) {
    %c0_i32 = arith.constant 0 : i32
    %c0_i32_0 = arith.constant 0 : i32
    return %arg0, %c0_i32 : i32, i32
  }
  func.func @transform_4(%arg0: i32) -> (i32, i32) {
    %c0_i32 = arith.constant 0 : i32
    %c0_i32_0 = arith.constant 0 : i32
    %c0_i32_1 = arith.constant 0 : i32
    return %c0_i32, %c0_i32_0 : i32, i32
  }
  func.func @transform_5(%arg0: i32) -> (i32, i32) {
    %c0_i32 = arith.constant 0 : i32
    %c0_i32_0 = arith.constant 0 : i32
    %c0_i32_1 = arith.constant 0 : i32
    return %c0_i32, %c0_i32_0 : i32, i32
  }
  func.func @transform_6(%arg0: i32) -> (i32, i32) {
    %c0_i32 = arith.constant 0 : i32
    %c0_i32_0 = arith.constant 0 : i32
    %c0_i32_1 = arith.constant 0 : i32
    return %c0_i32, %c0_i32_0 : i32, i32
  }
  func.func @transform_7(%arg0: i32) -> (i32, i32) {
    %c0_i32 = arith.constant 0 : i32
    %c0_i32_0 = arith.constant 0 : i32
    %c0_i32_1 = arith.constant 0 : i32
    return %c0_i32, %c0_i32_0 : i32, i32
  }
  func.func @transform_8(%arg0: i32) -> (i32, i32) {
    %c0_i32 = arith.constant 0 : i32
    %c0_i32_0 = arith.constant 0 : i32
    %c0_i32_1 = arith.constant 0 : i32
    return %c0_i32, %c0_i32_0 : i32, i32
  }
  func.func @transform_9(%arg0: i32) -> (i32, i32) {
    %c0_i32 = arith.constant 0 : i32
    %c0_i32_0 = arith.constant 0 : i32
    %c0_i32_1 = arith.constant 0 : i32
    return %c0_i32, %c0_i32_0 : i32, i32
  }
  func.func @transform_10(%arg0: i32) -> (i32, i32) {
    %c0_i32 = arith.constant 0 : i32
    %c0_i32_0 = arith.constant 0 : i32
    %c0_i32_1 = arith.constant 0 : i32
    return %c0_i32, %c0_i32_0 : i32, i32
  }
  func.func @transform_11(%arg0: i32) -> (i32, i32) {
    %c0_i32 = arith.constant 0 : i32
    %c0_i32_0 = arith.constant 0 : i32
    %c0_i32_1 = arith.constant 0 : i32
    return %c0_i32, %c0_i32_0 : i32, i32
  }
}

</mosaic_0001>

<sc_bundles>
// kernel: kernel.4.cloned.1.call-start
scs
__scs_entry_jumppad:
0x0: {  	(pc) =	sbr.rel $0x88, $3  }
0x1: {  	(tag) =	ssettag $0x0;
	lr =	simm.s32 $0x1  }
0x2: {  	[smem:$0x3F97] =	sst lr;
	_ =	strace $0xD0000000  }
0x3: {  	_ = 	snop  }
0x4: {  	_ = 	snop  }
0x5: {  	_ = 	snop  }
0x6: {  	_ = 	snop  }
0x7: {  	_ = 	snop  }
__scs_overlays_trampoline_lowered:
0x8: {  	[smem:$0x3FA6] =	sst s0  }
0x9: {  	[smem:$0x3FA7] =	sst s1  }
0xa: {  	[smem:$0x3FA8] =	sst s2  }
0xb: {  	[smem:$0x3FA9] =	sst s3  }
0xc: {  	[smem:$0x3FAA] =	sst s4  }
0xd: {  	[smem:$0x3FAB] =	sst s5  }
0xe: {  	[smem:$0x3FAC] =	sst s6  }
0xf: {  	[smem:$0x3FAD] =	sst s7  }
0x10: {  	[smem:$0x3FAE] =	sst s8  }
0x11: {  	[smem:$0x3FAF] =	sst s9;
	s0 =	simm.s32 @!p0 $0x0  }
0x12: {  	s1 =	sld [smem:$0x3F95];
	s0 =	simm.s32 @p0 $0x1  }
0x13: {  	[smem:$0x3FB0] =	sst s0;
	s0 =	simm.s32 @!p1 $0x0  }
0x14: {  	s2 =	sld [smem:$0x3F94];
	s0 =	simm.s32 @p1 $0x1  }
0x15: {  	[smem:$0x3FB1] =	sst s0;
	s0 =	simm.s32 @!p2 $0x0  }
0x16: {  	s3 =	sld [smem:$0x3FDB];
	s0 =	simm.s32 @p2 $0x1  }
0x17: {  	s4 =	simm.s32 $0x1BF5;
	[smem:$0x3FB3] =	sst s0  }
0x18: {  	s0 =	sld [smem:$0x3F96];
	_ =	swait.ge [sflag:s4], $0x0  }
0x19: {  	s7 =	sld [smem:$0x3F97]  }
0x1a: {  	s8 =	sadd.s32 $0xFFFFE003, lr  }
0x1b: {  	s9 =	sadd.s32 $0xFFFFFEF7, lr;
	s5 =	simm.s32 $0xFFFFFFFF;
	p2 =	slt.u32 s8, $0xFFFFF086  }
0x1c: {  	p1 =	slt.u32 s9, $0xF7A;
	s5 =	simm.s32 @!p2 $0x0  }
0x1d: {  	s5 =	simm.s32 @p1 $0x1;
	p0 =	seq.s32 s7, s2  }
0x1e: {  	s7 =	smul.u32 @!p0 $0xF7A, s2;
	p2 =	seq.s32 @!p0 s5, $0x0  }
0x1f: {  	s9 =	smul.u32 $0xF7A, s1;
	s8 =	simm.s32 @!p0 $0x1BF5;
	p2 =	por !p2, p0  }
0x20: {  	[sflag:s8] =	ssyncset.s32 @!p0 $0xFFFFF086;
	s6 =	sadd.s32 @!p0 s3, s7;
	s7 =	simm.s32 @!p0 $0x108  }
0x21: {  	s3 =	sadd.s32 s3, s9;
	s6 =	sadd.s32 @!p0 $0x88, s6;
	s7 =	simm.s32 @p2 $0x1082  }
0x22: {  	[simem:s7], [sflag:s8] =	dma.local @!p0 [hbm:s6], $0xF7A  }
0x23: {  	s9 =	sor.u32 $0xD0000000, s2;
	s6 =	simm.s32 $0x108;
	_ =	swait.ge @!p0 [sflag:s8], $0x0  }
0x24: {  	s3 =	sadd.s32 $0x88, s3;
	s6 =	simm.s32 @!p1 $0x1082;
	[sflag:s4] =	ssyncset.s32 $0xFFFFF086  }
0x25: {  	[simem:s6], [sflag:s4] =	dma.local [hbm:s3], $0xF7A  }
0x26: {  	[smem:$0x3F97] =	sst s1;
	(tag) =	ssettag s2;
	_ =	strace s9  }
0x27: {  	s1 =	sld [smem:$0x3FA7]  }
0x28: {  	s2 =	sld [smem:$0x3FA8]  }
0x29: {  	s4 =	sld [smem:$0x3FAA]  }
0x2a: {  	p0 =	seq.s32 s5, $0x0;
	s5 =	sld [smem:$0x3FAB]  }
0x2b: {  	s6 =	sld [smem:$0x3FAC]  }
0x2c: {  	s7 =	sld [smem:$0x3FAD]  }
0x2d: {  	s3 =	simm.s32 $0x108;
	s8 =	sld [smem:$0x3FAE]  }
0x2e: {  	s3 =	simm.s32 @!p0 $0x1082;
	s9 =	sld [smem:$0x3FAF]  }
0x2f: {  	lr =	sadd.s32 s0, s3;
	s0 =	sld [smem:$0x3FA6]  }
0x30: {  	s3 =	sld [smem:$0x3FA9]  }
0x31: {  	[smem:$0x3FB2] =	sst s10  }
0x32: {  	s10 =	sld [smem:$0x3FB0];
	_ =	sdelay $0x3  }
0x33: {  	p0 =	seq.s32 s10, $0x1;
	s10 =	sld [smem:$0x3FB2];
	_ =	sdelay $0x3  }
0x34: {  	[smem:$0x3FB2] =	sst s10  }
0x35: {  	s10 =	sld [smem:$0x3FB1];
	_ =	sdelay $0x3  }
0x36: {  	p1 =	seq.s32 s10, $0x1;
	s10 =	sld [smem:$0x3FB2];
	_ =	sdelay $0x3  }
0x37: {  	[smem:$0x3FB2] =	sst s10  }
0x38: {  	s10 =	sld [smem:$0x3FB3]  }
0x39: {  	_ = 	snop;
	(pc) =	sbr.ind lr, $3  }
0x3a: {  	_ = 	snop  }
0x3b: {  	_ = 	snop  }
0x3c: {  	p2 =	seq.s32 s10, $0x1;
	s10 =	sld [smem:$0x3FB2]  }
0x3d: {  	_ =	shalt  }
0x3e: {  	_ =	shalt  }
0x3f: {  	_ =	shalt  }
0x40: {  	_ =	shalt  }
0x41: {  	_ =	shalt  }
0x42: {  	_ =	shalt  }
0x43: {  	_ =	shalt  }
0x44: {  	_ =	shalt  }
0x45: {  	_ =	shalt  }
0x46: {  	_ =	shalt  }
0x47: {  	_ =	shalt  }
0x48: {  	_ =	shalt  }
0x49: {  	_ =	shalt  }
0x4a: {  	_ =	shalt  }
0x4b: {  	_ =	shalt  }
0x4c: {  	_ =	shalt  }
0x4d: {  	_ =	shalt  }
0x4e: {  	_ =	shalt  }
0x4f: {  	_ =	shalt  }
0x50: {  	_ =	shalt  }
0x51: {  	_ =	shalt  }
0x52: {  	_ =	shalt  }
0x53: {  	_ =	shalt  }
0x54: {  	_ =	shalt  }
0x55: {  	_ =	shalt  }
0x56: {  	_ =	shalt  }
0x57: {  	_ =	shalt  }
0x58: {  	_ =	shalt  }
0x59: {  	_ =	shalt  }
0x5a: {  	_ =	shalt  }
0x5b: {  	_ =	shalt  }
0x5c: {  	_ =	shalt  }
0x5d: {  	_ =	shalt  }
0x5e: {  	_ =	shalt  }
0x5f: {  	_ =	shalt  }
0x60: {  	_ =	shalt  }
0x61: {  	_ =	shalt  }
0x62: {  	_ =	shalt  }
0x63: {  	_ =	shalt  }
0x64: {  	_ =	shalt  }
0x65: {  	_ =	shalt  }
0x66: {  	_ =	shalt  }
0x67: {  	_ =	shalt  }
0x68: {  	_ =	shalt  }
0x69: {  	_ =	shalt  }
0x6a: {  	_ =	shalt  }
0x6b: {  	_ =	shalt  }
0x6c: {  	_ =	shalt  }
0x6d: {  	_ =	shalt  }
0x6e: {  	_ =	shalt  }
0x6f: {  	_ =	shalt  }
0x70: {  	_ =	shalt  }
0x71: {  	_ =	shalt  }
0x72: {  	_ =	shalt  }
0x73: {  	_ =	shalt  }
0x74: {  	_ =	shalt  }
0x75: {  	_ =	shalt  }
0x76: {  	_ =	shalt  }
0x77: {  	_ =	shalt  }
0x78: {  	_ =	shalt  }
0x79: {  	_ =	shalt  }
0x7a: {  	_ =	shalt  }
0x7b: {  	_ =	shalt  }
0x7c: {  	_ =	shalt  }
0x7d: {  	_ =	shalt  }
0x7e: {  	_ =	shalt  }
0x7f: {  	_ =	shalt  }
0x80: {  	_ =	shalt  }
0x81: {  	_ =	shalt  }
0x82: {  	_ =	shalt  }
0x83: {  	_ =	shalt  }
0x84: {  	_ =	shalt  }
0x85: {  	_ =	shalt  }
0x86: {  	_ =	shalt  }
0x87: {  	_ =	shalt  }
.Lfunc_end0:
.L_simem_size_0:
called_computation_lowered:
.L_overlay_start_0:
0x88: {  	s2 =	sld [smem:$0x3FD9]  }
0x89: {  	s3 =	sld [smem:$0x3FFE];
	_ =	sdelay $0x1  }
0x8a: {  	s1 =	srdreg.scid  }
0x8b: {  	s0 =	sand.u32 $0x1, s1  }
0x8c: {  	s17 =	sshll.u32 s0, $0xA;
	s2 =	sadd.s32 s3, s2  }
0x8d: {  	s2 =	sadd.s32 s2, s17  }
0x8e: {  	[smem:$0x3FBE] =	sst s2  }
0x8f: {  	_ = 	snop  }
0x90: {  	s2 =	sld [smem:$0x3FC9];
	(tm) =	ssettm $0x1  }
0x91: {  	s18 =	sld [smem:$0x3FFB];
	_ =	sdelay $0x3  }
0x92: {  	_ =	strace s18  }
0x93: {  	s3 =	sld [smem:$0x3FFC];
	_ =	sdelay $0x3  }
0x94: {  	_ =	strace s3  }
0x95: {  	s3 =	sld [smem:$0x3FFD];
	_ =	sdelay $0x3  }
0x96: {  	_ =	strace s3  }
0x97: {  	_ =	strace $0x8FFFFFFF  }
0x98: {  	s19 =	sld [smem:$0x3FDB];
	_ =	sdelay $0x1  }
0x99: {  	s4 =	simm.s32 $_scs_section_size  }
0x9a: {  	s5 =	simm.s32 $_size__tile_overlayer_lowered;
	s6 =	simm.s32 $_tile_overlayer_lowered  }
0x9b: {  	s22 =	simm.s32 $0x1BFF;
	s21 =	sshll.u32 s6, $0x1;
	s3 =	sadd.s32 s4, s19  }
0x9c: {  	s7 =	simm.s32 $0x0;
	s20 =	sshll.u32 s5, $0x1;
	s5 =	sadd.s32 s21, s3  }
0x9d: {  	[timem:s7], [sflag:s22] =	dma.local [hbm:s5], s20  }
0x9e: {  	_ =	swait.ge [sflag:s22], s20  }
0x9f: {  	s4 =	ssub.s32 $0x0, s20;
	[sflag:s22] =	ssyncset.done $0x0  }
0xa0: {  	[sflag:s22] =	ssyncadd.s32 s4;
	_ =	sdelay $0x1  }
0xa1: {  	s23 =	simm.s32 $0x1B8B  }
0xa2: {  	_ =	swait.ge [sflag:s23], $0x1  }
0xa3: {  	[sflag:s23] =	ssyncset.done $0x0  }
0xa4: {  	s25 =	simm.s32 $0x1B8E;
	s24 =	sld [smem:$0x3FFE];
	[sflag:s23] =	ssyncadd.s32 $0xFFFFFFFF  }
0xa5: {  	s26 =	simm.s32 $execute0_lowered;
	[smem:$0x3FD2] =	sst s25  }
0xa6: {  	s5 =	sshll.u32 s26, $0x1;
	_ =	strace $0x80000046;
	[dreg:$0x1] =	wrdreg $0xFFFFFFFF  }
0xa7: {  	s28 =	simm.s32 $_size_execute0_lowered;
	s3 =	sadd.s32 s3, s5;
	[dreg:$0x0] =	wrdreg $0x0  }
0xa8: {  	s5 =	sshll.u32 s28, $0x1;
	[dreg:$0x2] =	wrdreg s3  }
0xa9: {  	[dreg:$0x3] =	wrdreg s5  }
0xaa: {  	[dreg:$0x4] =	wrdreg $0xC0  }
0xab: {  	_ =	task [dreg:s7], $0x5FFFF  }
0xac: {  	[dreg:$0x1] =	wrdreg $0xFFFFFFFF  }
0xad: {  	[dreg:$0x0] =	wrdreg $0x60  }
0xae: {  	[dreg:$0x2] =	wrdreg s2  }
0xaf: {  	[dreg:$0x3] =	wrdreg s24  }
0xb0: {  	[dreg:$0x4] =	wrdreg $0x0  }
0xb1: {  	[dreg:$0x5] =	wrdreg $0x140000  }
0xb2: {  	[dreg:$0x6] =	wrdreg $0x9  }
0xb3: {  	_ =	task.clear_ibuf [dreg:s7], $0x7FFFF;
	_ =	strace $0x90000046  }
0xb4: {  	s29 =	simm.s32 $0x9;
	_ =	strace $0x80000048  }
0xb5: {  	_ =	swait.ge [sflag:s29], $0x1  }
0xb6: {  	[sflag:s29] =	ssyncadd.s32 $0xFFFFFFFF  }
0xb7: {  	_ =	strace $0x90000048  }
0xb8: {  	_ =	sfence  }
0xb9: {  	s30 =	sld [smem:$0x0];
	_ =	sdelay $0x2  }
0xba: {  	s31 =	sshll.u32 s1, $0xD;
	s1 =	sshrl.u32 s1, $0x2  }
0xbb: {  	s3 =	sand.u32 $0x4000, s31;
	s1 =	sadd.s32 s1, s30  }
0xbc: {  	s0 =	sor.u32 s3, s0;
	s1 =	sshll.u32 s1, $0x11  }
0xbd: {  	s0 =	sor.u32 s1, s0  }
0xbe: {  	s0 =	sadd.s32 $0x8F2B, s0  }
0xbf: {  	[sflag:s0] =	ssyncadd.remote.s32 $0x1  }
0xc0: {  	_ =	sfence.sel $0xFFFF  }
0xc1: {  	[dreg:$0x0] =	wrdreg $0xFFFFFFFF;
	(pc) =	sbr.abs _section_cstart, $3  }
0xc2: {  	[dreg:$0x1] =	wrdreg $0xFFFFFFFF  }
0xc3: {  	_ =	task.clear_ibuf [dreg:s7], $0x2FFFF;
	_ =	strace $0x9FFFFFFF  }
0xc4: {  	(tm) =	ssettm $0x7FFFFFFF  }
0xc5: {  	_ =	shalt  }
tec
execute0_lowered:
.L_overlay_start_1:
0x0: {  	(tag) =	ssettag $0x1  }
0x1: {  	s0 =	rddreg [dreg:$0x0]  }
0x2: {  	s1 =	srdreg.scid;
	s2 =	rddreg [dreg:$0x1]  }
0x3: {  	s12 =	stileid.u32;
	s3 =	rddreg [dreg:$0x2]  }
0x4: {  	s4 =	rddreg [dreg:$0x3];
	s28 =	simm.s32 $0x7D;
	s9 =	smul.u32 $0x14000, s12  }
0x5: {  	s29 =	simm.s32 $0x1;
	s30 =	simm.s32 $0x1AA80;
	s17 =	smul.u32 $0x280, s12  }
0x6: {  	s31 =	simm.s32 $0x1EA80;
	s1 =	sand.u32 $0x1, s1;
	s10 =	smul.u32 $0x50000, s12  }
0x7: {  	s6 =	sshll.u32 s1, $0x4;
	s8 =	smul.u32 $0x140000, s1;
	s1 =	ssub.s32 $0x2, s1  }
0x8: {  	p0 =	sne.s32 s12, $0x0;
	s5 =	sor.u32 s12, s6;
	s18 =	sshrl.u32 s1, $0x1  }
0x9: {  	s10 =	sshrl.u32 s10, $0x2;
	s11 =	sadd.s32 $0x80, s17;
	s13 =	sadd.s32 s17, s4  }
0xa: {  	s20 =	sadd.s32 $0x100, s17;
	s22 =	sadd.s32 $0x180, s17;
	s7 =	smul.u32 $0x2800, s5  }
0xb: {  	s5 =	simm.s32 $0x0;
	s8 =	sadd.s32 s9, s8;
	s1 =	ssub.s32 s1, s18  }
0xc: {  	s19 =	sshll.u32 s11, $0x7;
	s11 =	sadd.s32 s11, s4;
	s21 =	sshll.u32 s20, $0x7  }
0xd: {  	s23 =	sshll.u32 s22, $0x7;
	s9 =	sadd.s32 $0x200, s17;
	s26 =	sadd.s32 s22, s4  }
0xe: {  	[smem:$0x7FF] =	sst s5;
	s8 =	sshrl.u32 s8, $0x3;
	s24 =	sadd.s32 s23, s3  }
0xf: {  	s25 =	sshll.u32 s9, $0x7;
	s15 =	sadd.s32 s9, s4;
	s22 =	smax.u32 s1, $0x1  }
0x10: {  	s23 =	simm.s32 $0x16A80;
	_ =	strace $0x80000047;
	[dreg:$0x5] =	wrdreg s13  }
0x11: {  	s1 =	simm.s32 $0x15600;
	s9 =	simm.s32 $0x3;
	[dreg:$0x7] =	wrdreg s11  }
0x12: {  	s7 =	sshrl.u32 s7, $0x3;
	s8 =	sadd.s32 s8, s2;
	[dreg:$0xa] =	wrdreg s24  }
0x13: {  	s11 =	sadd.s32 s21, s3;
	[dreg:$0xb] =	wrdreg s26;
	s24 =	simm.s32 $0x4  }
0x14: {  	s26 =	simm.s32 $0x15680;
	s7 =	sadd.s32 s7, s2;
	s2 =	sadd.s32 s6, s2  }
0x15: {  	s6 =	sadd.s32 s10, s3;
	s10 =	sadd.s32 s19, s3;
	[dreg:$0x8] =	wrdreg s11  }
0x16: {  	[dreg:$0x6] =	wrdreg s10;
	s10 =	sadd.s32 s20, s4;
	s16 =	sadd.s32 $0x2400, s7  }
0x17: {  	s17 =	sadd.s32 $0xC400, s7;
	s18 =	sadd.s32 $0x2680, s7;
	s19 =	sadd.s32 $0xC680, s7  }
0x18: {  	s20 =	sadd.s32 $0x16400, s8;
	s21 =	sadd.s32 $0x66400, s2;
	s2 =	simm.s32 $0x2  }
0x19: {  	s7 =	simm.s32 $0x16980;
	[dreg:$0x9] =	wrdreg s10;
	s10 =	sadd.s32 s25, s3  }
0x1a: {  	v0 =	vimm.f32 $0.0e+00;
	v1 =	vimm.f32 $1.000000000e+00;
	s8 =	simm.s32 $0x16A00;
	s25 =	simm.s32 $0x14280;
	[dreg:$0xc] =	wrdreg s10  }
.LBB2_1:
0x1b: {  	s10 =	simm.s32 $0x0;
	s11 =	simm.s32 $0x200  }
.LBB2_2:
0x1c: {  	p1 =	sne.s32 s11, $0xFE00;
	[tilespmem:s10+$0x16AF0] =	vst v0  }
0x1d: {  	[tilespmem:s10+$0x16A80] =	vst v0  }
0x1e: {  	[tilespmem:s10+$0x16A90] =	vst v0  }
.Ltmp0:
0x1f: {  	[tilespmem:s10+$0x16AA0] =	vst v0;
	(pc) =	sbr.rel @p1 .LBB2_2-.Ltmp0, $4  }
0x20: {  	[tilespmem:s10+$0x16AB0] =	vst v0  }
0x21: {  	[tilespmem:s10+$0x16AC0] =	vst v0  }
0x22: {  	[tilespmem:s10+$0x16AD0] =	vst v0  }
0x23: {  	[tilespmem:s10+$0x16AE0] =	vst v0;
	s10 =	sshra.s32 s11, $0x2;
	s11 =	sadd.s32 $0x200, s11  }
0x24: {  	[tilespmem:s10+$0x16AF0] =	vst v0  }
0x25: {  	[tilespmem:s10+$0x16A80] =	vst v0  }
0x26: {  	[tilespmem:s10+$0x16A90] =	vst v0  }
0x27: {  	[tilespmem:s10+$0x16AA0] =	vst v0  }
0x28: {  	[tilespmem:s10+$0x16AB0] =	vst v0  }
0x29: {  	[tilespmem:s10+$0x16AC0] =	vst v0  }
0x2a: {  	[tilespmem:s10+$0x16AD0] =	vst v0  }
0x2b: {  	[tilespmem:s10+$0x16AE0] =	vst v0  }
0x2c: {  	[spmem:s6] =	stream.linear.scatter [tilespmem:s23], [sflag:$0x4], $0x4000, $0x38;
	[tilespmem:$0x1EB00] =	vst v63  }
0x2d: {  	_ =	swait.ge [sflag:s24], $0x4000  }
0x2e: {  	[sflag:s24] =	ssyncset.done $0x0  }
0x2f: {  	s11 =	rddreg [dreg:$0x5];
	[sflag:s24] =	ssyncadd.s32 $0xFFFFC000  }
0x30: {  	[spmem:s11] =	stream.linear.scatter [tilespmem:s23], [sflag:$0x4], $0x80, $0x38;
	[tilespmem:$0x1EB00] =	vst v63  }
0x31: {  	_ =	swait.ge [sflag:s24], $0x80  }
0x32: {  	[sflag:s24] =	ssyncset.done $0x0  }
0x33: {  	s12 =	rddreg [dreg:$0x6];
	[sflag:s24] =	ssyncadd.s32 $0xFFFFFF80  }
0x34: {  	[spmem:s12] =	stream.linear.scatter [tilespmem:s23], [sflag:$0x4], $0x4000, $0x38;
	[tilespmem:$0x1EB00] =	vst v63  }
0x35: {  	_ =	swait.ge [sflag:s24], $0x4000  }
0x36: {  	[sflag:s24] =	ssyncset.done $0x0  }
0x37: {  	s13 =	rddreg [dreg:$0x7];
	[sflag:s24] =	ssyncadd.s32 $0xFFFFC000  }
0x38: {  	[spmem:s13] =	stream.linear.scatter [tilespmem:s23], [sflag:$0x4], $0x80, $0x38;
	[tilespmem:$0x1EB00] =	vst v63  }
0x39: {  	_ =	swait.ge [sflag:s24], $0x80  }
0x3a: {  	[sflag:s24] =	ssyncset.done $0x0  }
0x3b: {  	s14 =	rddreg [dreg:$0x8];
	[sflag:s24] =	ssyncadd.s32 $0xFFFFFF80  }
0x3c: {  	[spmem:s14] =	stream.linear.scatter [tilespmem:s23], [sflag:$0x4], $0x4000, $0x38;
	[tilespmem:$0x1EB00] =	vst v63  }
0x3d: {  	_ =	swait.ge [sflag:s24], $0x4000  }
0x3e: {  	[sflag:s24] =	ssyncset.done $0x0  }
0x3f: {  	s11 =	rddreg [dreg:$0x9];
	[sflag:s24] =	ssyncadd.s32 $0xFFFFC000  }
0x40: {  	[spmem:s11] =	stream.linear.scatter [tilespmem:s23], [sflag:$0x4], $0x80, $0x38;
	[tilespmem:$0x1EB00] =	vst v63  }
0x41: {  	_ =	swait.ge [sflag:s24], $0x80  }
0x42: {  	[sflag:s24] =	ssyncset.done $0x0  }
0x43: {  	s12 =	rddreg [dreg:$0xa];
	[sflag:s24] =	ssyncadd.s32 $0xFFFFFF80  }
0x44: {  	[spmem:s12] =	stream.linear.scatter [tilespmem:s23], [sflag:$0x4], $0x4000, $0x38;
	[tilespmem:$0x1EB00] =	vst v63  }
0x45: {  	_ =	swait.ge [sflag:s24], $0x4000  }
0x46: {  	[sflag:s24] =	ssyncset.done $0x0  }
0x47: {  	s13 =	rddreg [dreg:$0xb];
	[sflag:s24] =	ssyncadd.s32 $0xFFFFC000  }
0x48: {  	[spmem:s13] =	stream.linear.scatter [tilespmem:s23], [sflag:$0x4], $0x80, $0x38;
	[tilespmem:$0x1EB00] =	vst v63  }
0x49: {  	_ =	swait.ge [sflag:s24], $0x80  }
0x4a: {  	[sflag:s24] =	ssyncset.done $0x0  }
0x4b: {  	s14 =	rddreg [dreg:$0xc];
	[sflag:s24] =	ssyncadd.s32 $0xFFFFFF80  }
0x4c: {  	[spmem:s14] =	stream.linear.scatter [tilespmem:s23], [sflag:$0x4], $0x4000, $0x38;
	[tilespmem:$0x1EB00] =	vst v63  }
0x4d: {  	_ =	swait.ge [sflag:s24], $0x4000  }
0x4e: {  	[sflag:s24] =	ssyncset.done $0x0  }
0x4f: {  	[sflag:s24] =	ssyncadd.s32 $0xFFFFC000  }
0x50: {  	[spmem:s15] =	stream.linear.scatter [tilespmem:s23], [sflag:$0x4], $0x80, $0x38;
	[tilespmem:$0x1EB00] =	vst v63  }
0x51: {  	_ =	swait.ge [sflag:s24], $0x80  }
0x52: {  	[sflag:s24] =	ssyncset.done $0x0  }
0x53: {  	[sflag:s24] =	ssyncadd.s32 $0xFFFFFF80  }
0x54: {  	[tilespmem:$0x1EA80] =	vst v1  }
0x55: {  	[tilespmem:$0x1EA90] =	vst v1  }
0x56: {  	[tilespmem:$0x1EAA0] =	vst v1  }
0x57: {  	[tilespmem:$0x1EAB0] =	vst v1  }
0x58: {  	[tilespmem:$0x1EAC0] =	vst v1  }
0x59: {  	[tilespmem:$0x1EAD0] =	vst v1  }
0x5a: {  	[tilespmem:$0x1EAE0] =	vst v1  }
0x5b: {  	[tilespmem:$0x1EAF0] =	vst v1  }
0x5c: {  	s11 =	simm.s32 $0x0;
	[bflag:$0x0] =	sbarrier.arrive $0xFFFF  }
0x5d: {  	[tilespmem:s25], [sflag:$0x4] =	stream.linear.gather [hbm4b:s16+s11], $0x1400, $0x38;
	[tilespmem:$0x1EB00] =	vst v63  }
0x5e: {  	_ =	swait.ge [sflag:s24], $0x1400  }
0x5f: {  	[sflag:s24] =	ssyncset.done $0x0  }
0x60: {  	[sflag:s24] =	ssyncadd.s32 $0xFFFFEC00  }
0x61: {  	[tilespmem:s26], [sflag:$0x4] =	stream.linear.gather [hbm4b:s17+s11], $0x1400, $0x38;
	[tilespmem:$0x1EB00] =	vst v63  }
0x62: {  	_ =	swait.ge [sflag:s24], $0x1400  }
0x63: {  	[sflag:s24] =	ssyncset.done $0x0  }
0x64: {  	[sflag:s24] =	ssyncadd.s32 $0xFFFFEC00  }
0x65: {  	[tilespmem:s23], [sflag:$0x1] =	stream.indirect.gather [hbm4b:s0+s28], $0x80, s25, s28, $0xb8;
	[tilespmem:$0x1EB00] =	vst v63  }
0x66: {  	_ =	swait.ge [sflag:s29], $0x3E80  }
0x67: {  	[sflag:s29] =	ssyncset.done $0x0  }
0x68: {  	s12 =	simm.s32 $0x14300;
	[sflag:s29] =	ssyncadd.s32 $0xFFFFC180  }
0x69: {  	[tilespmem:s30], [sflag:$0x2] =	stream.indirect.gather [hbm4b:s0+s28], $0x80, s12, s28, $0xb8;
	[tilespmem:$0x1EB00] =	vst v63  }
0x6a: {  	s13 =	simm.s32 $0x15680  }
0x6b: {  	[spmem:s3] =	stream.indirect.scatter.add.f32 [tilespmem:s23], [sflag:$0x4], $0x80, s13, s28, $0xb8;
	[tilespmem:$0x1EB00] =	vst v63  }
0x6c: {  	_ =	swait.ge [sflag:s24], $0x3E80  }
0x6d: {  	[sflag:s24] =	ssyncset.done $0x0  }
0x6e: {  	[sflag:s24] =	ssyncadd.s32 $0xFFFFC180  }
0x6f: {  	[spmem:s4] =	stream.indirect.scatter.add.f32 [tilespmem:s31], [sflag:$0x3], $0x1, s13, s28, $0xb8;
	[tilespmem:$0x1EB00] =	vst v63  }
0x70: {  	_ =	swait.ge [sflag:s2], $0x3E80  }
0x71: {  	[sflag:s2] =	ssyncset.done $0x0  }
0x72: {  	s14 =	simm.s32 $0x14380;
	[sflag:s2] =	ssyncadd.s32 $0xFFFFC180  }
0x73: {  	[tilespmem:s23], [sflag:$0x1] =	stream.indirect.gather [hbm4b:s0+s28], $0x80, s14, s28, $0xb8;
	[tilespmem:$0x1EB00] =	vst v63  }
0x74: {  	s11 =	simm.s32 $0x15700  }
0x75: {  	[spmem:s3] =	stream.indirect.scatter.add.f32 [tilespmem:s30], [sflag:$0x4], $0x80, s11, s28, $0xb8;
	[tilespmem:$0x1EB00] =	vst v63  }
0x76: {  	_ =	swait.ge [sflag:s24], $0x3E80  }
0x77: {  	[sflag:s24] =	ssyncset.done $0x0  }
0x78: {  	s10 =	simm.s32 $0x400;
	[sflag:s24] =	ssyncadd.s32 $0xFFFFC180  }
.LBB2_4:
0x79: {  	[spmem:s4] =	stream.indirect.scatter.add.f32 [tilespmem:s31], [sflag:$0x3], $0x1, s11, s28, $0xb8;
	[tilespmem:$0x1EB00] =	vst v63  }
0x7a: {  	s11 =	smov.u32 s10  }
0x7b: {  	p1 =	sne.s32 s10, $0x4800;
	s10 =	sadd.s32 $0x400, s10;
	_ =	swait.ge [sflag:s29], $0x3E80  }
0x7c: {  	s11 =	sshra.s32 s11, $0x2;
	[sflag:s29] =	ssyncset.done $0x0  }
0x7d: {  	s12 =	sadd.s32 $0x14300, s11;
	[sflag:s29] =	ssyncadd.s32 $0xFFFFC180  }
0x7e: {  	[tilespmem:s30], [sflag:$0x2] =	stream.indirect.gather [hbm4b:s0+s28], $0x80, s12, s28, $0xb8;
	[tilespmem:$0x1EB00] =	vst v63  }
0x7f: {  	s12 =	sadd.s32 $0x15680, s11  }
0x80: {  	[spmem:s3] =	stream.indirect.scatter.add.f32 [tilespmem:s23], [sflag:$0x4], $0x80, s12, s28, $0xb8;
	[tilespmem:$0x1EB00] =	vst v63  }
0x81: {  	_ =	swait.ge [sflag:s24], $0x3E80  }
0x82: {  	[sflag:s24] =	ssyncset.done $0x0  }
0x83: {  	[sflag:s24] =	ssyncadd.s32 $0xFFFFC180  }
0x84: {  	[spmem:s4] =	stream.indirect.scatter.add.f32 [tilespmem:s31], [sflag:$0x3], $0x1, s12, s28, $0xb8;
	[tilespmem:$0x1EB00] =	vst v63  }
0x85: {  	_ =	swait.ge [sflag:s2], $0x3E80  }
0x86: {  	[sflag:s2] =	ssyncset.done $0x0  }
0x87: {  	s12 =	sadd.s32 $0x14380, s11;
	[sflag:s2] =	ssyncadd.s32 $0xFFFFC180  }
0x88: {  	[tilespmem:s23], [sflag:$0x1] =	stream.indirect.gather [hbm4b:s0+s28], $0x80, s12, s28, $0xb8;
	[tilespmem:$0x1EB00] =	vst v63  }
.Ltmp1:
0x89: {  	s11 =	sadd.s32 $0x15700, s11;
	(pc) =	sbr.rel @p1 .LBB2_4-.Ltmp1, $4  }
0x8a: {  	[spmem:s3] =	stream.indirect.scatter.add.f32 [tilespmem:s30], [sflag:$0x4], $0x80, s11, s28, $0xb8;
	[tilespmem:$0x1EB00] =	vst v63  }
0x8b: {  	_ =	swait.ge [sflag:s24], $0x3E80  }
0x8c: {  	[sflag:s24] =	ssyncset.done $0x0  }
0x8d: {  	[sflag:s24] =	ssyncadd.s32 $0xFFFFC180  }
0x8e: {  	[spmem:s4] =	stream.indirect.scatter.add.f32 [tilespmem:s31], [sflag:$0x3], $0x1, s11, s28, $0xb8;
	[tilespmem:$0x1EB00] =	vst v63  }
0x8f: {  	_ =	swait.ge [sflag:s29], $0x3E80  }
0x90: {  	[sflag:s29] =	ssyncset.done $0x0  }
0x91: {  	[sflag:s29] =	ssyncadd.s32 $0xFFFFC180  }
0x92: {  	[tilespmem:s30], [sflag:$0x2] =	stream.indirect.gather [hbm4b:s0+s28], $0x80, s1, s28, $0xb8;
	[tilespmem:$0x1EB00] =	vst v63  }
0x93: {  	_ = 	snop  }
0x94: {  	[spmem:s3] =	stream.indirect.scatter.add.f32 [tilespmem:s23], [sflag:$0x4], $0x80, s7, s28, $0xb8;
	[tilespmem:$0x1EB00] =	vst v63  }
0x95: {  	_ =	swait.ge [sflag:s24], $0x3E80  }
0x96: {  	[sflag:s24] =	ssyncset.done $0x0  }
0x97: {  	[sflag:s24] =	ssyncadd.s32 $0xFFFFC180  }
0x98: {  	[spmem:s4] =	stream.indirect.scatter.add.f32 [tilespmem:s31], [sflag:$0x3], $0x1, s7, s28, $0xb8;
	[tilespmem:$0x1EB00] =	vst v63  }
0x99: {  	_ =	swait.ge [sflag:s2], $0x3E80  }
0x9a: {  	[sflag:s2] =	ssyncset.done $0x0  }
0x9b: {  	[sflag:s2] =	ssyncadd.s32 $0xFFFFC180  }
0x9c: {  	[spmem:s3] =	stream.indirect.scatter.add.f32 [tilespmem:s30], [sflag:$0x4], $0x80, s8, s28, $0xb8;
	[tilespmem:$0x1EB00] =	vst v63  }
0x9d: {  	_ =	swait.ge [sflag:s24], $0x3E80  }
0x9e: {  	[sflag:s24] =	ssyncset.done $0x0  }
0x9f: {  	[sflag:s24] =	ssyncadd.s32 $0xFFFFC180  }
0xa0: {  	[spmem:s4] =	stream.indirect.scatter.add.f32 [tilespmem:s31], [sflag:$0x3], $0x1, s8, s28, $0xb8;
	[tilespmem:$0x1EB00] =	vst v63  }
0xa1: {  	_ =	swait.ge [sflag:s9], $0x7D  }
0xa2: {  	s10 =	simm.s32 $0x27;
	[sflag:s9] =	ssyncset.done $0x0  }
.LBB2_6:
0xa3: {  	p1 =	sne.s32 s10, $0x1;
	s10 =	sadd.s32 $0xFFFFFFFF, s10;
	[sflag:s9] =	ssyncadd.s32 $0xFFFFFF83  }
.Ltmp2:
0xa4: {  	(pc) =	sbr.rel @p1 .LBB2_6-.Ltmp2, $3  }
0xa5: {  	_ =	sdelay $0x1  }
0xa6: {  	_ =	swait.ge [sflag:s9], $0x7D  }
0xa7: {  	[sflag:s9] =	ssyncset.done $0x0  }
0xa8: {  	[sflag:s9] =	ssyncadd.s32 $0xFFFFFF83;
	s10 =	simm.s32 $0x0  }
0xa9: {  	[tilespmem:s25], [sflag:$0x4] =	stream.linear.gather [hbm4b:s18+s10], $0x1400, $0x38;
	[tilespmem:$0x1EB00] =	vst v63  }
0xaa: {  	_ =	swait.ge [sflag:s24], $0x1400  }
0xab: {  	[sflag:s24] =	ssyncset.done $0x0  }
0xac: {  	[sflag:s24] =	ssyncadd.s32 $0xFFFFEC00  }
0xad: {  	[tilespmem:s26], [sflag:$0x4] =	stream.linear.gather [hbm4b:s19+s10], $0x1400, $0x38;
	[tilespmem:$0x1EB00] =	vst v63  }
0xae: {  	_ =	swait.ge [sflag:s24], $0x1400  }
0xaf: {  	[sflag:s24] =	ssyncset.done $0x0  }
0xb0: {  	[sflag:s24] =	ssyncadd.s32 $0xFFFFEC00  }
0xb1: {  	[tilespmem:s23], [sflag:$0x1] =	stream.indirect.gather [hbm4b:s0+s28], $0x80, s25, s28, $0xb8;
	[tilespmem:$0x1EB00] =	vst v63  }
0xb2: {  	_ =	swait.ge [sflag:s29], $0x3E80  }
0xb3: {  	[sflag:s29] =	ssyncset.done $0x0  }
0xb4: {  	s12 =	simm.s32 $0x14300;
	[sflag:s29] =	ssyncadd.s32 $0xFFFFC180  }
0xb5: {  	[tilespmem:s30], [sflag:$0x2] =	stream.indirect.gather [hbm4b:s0+s28], $0x80, s12, s28, $0xb8;
	[tilespmem:$0x1EB00] =	vst v63  }
0xb6: {  	s13 =	simm.s32 $0x15680  }
0xb7: {  	[spmem:s3] =	stream.indirect.scatter.add.f32 [tilespmem:s23], [sflag:$0x4], $0x80, s13, s28, $0xb8;
	[tilespmem:$0x1EB00] =	vst v63  }
0xb8: {  	_ =	swait.ge [sflag:s24], $0x3E80  }
0xb9: {  	[sflag:s24] =	ssyncset.done $0x0  }
0xba: {  	[sflag:s24] =	ssyncadd.s32 $0xFFFFC180  }
0xbb: {  	[spmem:s4] =	stream.indirect.scatter.add.f32 [tilespmem:s31], [sflag:$0x3], $0x1, s13, s28, $0xb8;
	[tilespmem:$0x1EB00] =	vst v63  }
0xbc: {  	_ =	swait.ge [sflag:s2], $0x3E80  }
0xbd: {  	[sflag:s2] =	ssyncset.done $0x0  }
0xbe: {  	s14 =	simm.s32 $0x14380;
	[sflag:s2] =	ssyncadd.s32 $0xFFFFC180  }
0xbf: {  	[tilespmem:s23], [sflag:$0x1] =	stream.indirect.gather [hbm4b:s0+s28], $0x80, s14, s28, $0xb8;
	[tilespmem:$0x1EB00] =	vst v63  }
0xc0: {  	s11 =	simm.s32 $0x15700  }
0xc1: {  	[spmem:s3] =	stream.indirect.scatter.add.f32 [tilespmem:s30], [sflag:$0x4], $0x80, s11, s28, $0xb8;
	[tilespmem:$0x1EB00] =	vst v63  }
0xc2: {  	_ =	swait.ge [sflag:s24], $0x3E80  }
0xc3: {  	[sflag:s24] =	ssyncset.done $0x0  }
0xc4: {  	s10 =	simm.s32 $0x400;
	[sflag:s24] =	ssyncadd.s32 $0xFFFFC180  }
.LBB2_8:
0xc5: {  	[spmem:s4] =	stream.indirect.scatter.add.f32 [tilespmem:s31], [sflag:$0x3], $0x1, s11, s28, $0xb8;
	[tilespmem:$0x1EB00] =	vst v63  }
0xc6: {  	s11 =	smov.u32 s10  }
0xc7: {  	p1 =	sne.s32 s10, $0x4800;
	s10 =	sadd.s32 $0x400, s10;
	_ =	swait.ge [sflag:s29], $0x3E80  }
0xc8: {  	s11 =	sshra.s32 s11, $0x2;
	[sflag:s29] =	ssyncset.done $0x0  }
0xc9: {  	s12 =	sadd.s32 $0x14300, s11;
	[sflag:s29] =	ssyncadd.s32 $0xFFFFC180  }
0xca: {  	[tilespmem:s30], [sflag:$0x2] =	stream.indirect.gather [hbm4b:s0+s28], $0x80, s12, s28, $0xb8;
	[tilespmem:$0x1EB00] =	vst v63  }
0xcb: {  	s12 =	sadd.s32 $0x15680, s11  }
0xcc: {  	[spmem:s3] =	stream.indirect.scatter.add.f32 [tilespmem:s23], [sflag:$0x4], $0x80, s12, s28, $0xb8;
	[tilespmem:$0x1EB00] =	vst v63  }
0xcd: {  	_ =	swait.ge [sflag:s24], $0x3E80  }
0xce: {  	[sflag:s24] =	ssyncset.done $0x0  }
0xcf: {  	[sflag:s24] =	ssyncadd.s32 $0xFFFFC180  }
0xd0: {  	[spmem:s4] =	stream.indirect.scatter.add.f32 [tilespmem:s31], [sflag:$0x3], $0x1, s12, s28, $0xb8;
	[tilespmem:$0x1EB00] =	vst v63  }
0xd1: {  	_ =	swait.ge [sflag:s2], $0x3E80  }
0xd2: {  	[sflag:s2] =	ssyncset.done $0x0  }
0xd3: {  	s12 =	sadd.s32 $0x14380, s11;
	[sflag:s2] =	ssyncadd.s32 $0xFFFFC180  }
0xd4: {  	[tilespmem:s23], [sflag:$0x1] =	stream.indirect.gather [hbm4b:s0+s28], $0x80, s12, s28, $0xb8;
	[tilespmem:$0x1EB00] =	vst v63  }
.Ltmp3:
0xd5: {  	s11 =	sadd.s32 $0x15700, s11;
	(pc) =	sbr.rel @p1 .LBB2_8-.Ltmp3, $4  }
0xd6: {  	[spmem:s3] =	stream.indirect.scatter.add.f32 [tilespmem:s30], [sflag:$0x4], $0x80, s11, s28, $0xb8;
	[tilespmem:$0x1EB00] =	vst v63  }
0xd7: {  	_ =	swait.ge [sflag:s24], $0x3E80  }
0xd8: {  	[sflag:s24] =	ssyncset.done $0x0  }
0xd9: {  	[sflag:s24] =	ssyncadd.s32 $0xFFFFC180  }
0xda: {  	[spmem:s4] =	stream.indirect.scatter.add.f32 [tilespmem:s31], [sflag:$0x3], $0x1, s11, s28, $0xb8;
	[tilespmem:$0x1EB00] =	vst v63  }
0xdb: {  	_ =	swait.ge [sflag:s29], $0x3E80  }
0xdc: {  	[sflag:s29] =	ssyncset.done $0x0  }
0xdd: {  	[sflag:s29] =	ssyncadd.s32 $0xFFFFC180  }
0xde: {  	[tilespmem:s30], [sflag:$0x2] =	stream.indirect.gather [hbm4b:s0+s28], $0x80, s1, s28, $0xb8;
	[tilespmem:$0x1EB00] =	vst v63  }
0xdf: {  	_ = 	snop  }
0xe0: {  	[spmem:s3] =	stream.indirect.scatter.add.f32 [tilespmem:s23], [sflag:$0x4], $0x80, s7, s28, $0xb8;
	[tilespmem:$0x1EB00] =	vst v63  }
0xe1: {  	_ =	swait.ge [sflag:s24], $0x3E80  }
0xe2: {  	[sflag:s24] =	ssyncset.done $0x0  }
0xe3: {  	[sflag:s24] =	ssyncadd.s32 $0xFFFFC180  }
0xe4: {  	[spmem:s4] =	stream.indirect.scatter.add.f32 [tilespmem:s31], [sflag:$0x3], $0x1, s7, s28, $0xb8;
	[tilespmem:$0x1EB00] =	vst v63  }
0xe5: {  	_ =	swait.ge [sflag:s2], $0x3E80  }
0xe6: {  	[sflag:s2] =	ssyncset.done $0x0  }
0xe7: {  	[sflag:s2] =	ssyncadd.s32 $0xFFFFC180  }
0xe8: {  	[spmem:s3] =	stream.indirect.scatter.add.f32 [tilespmem:s30], [sflag:$0x4], $0x80, s8, s28, $0xb8;
	[tilespmem:$0x1EB00] =	vst v63  }
0xe9: {  	_ =	swait.ge [sflag:s24], $0x3E80  }
0xea: {  	[sflag:s24] =	ssyncset.done $0x0  }
0xeb: {  	[sflag:s24] =	ssyncadd.s32 $0xFFFFC180  }
0xec: {  	[spmem:s4] =	stream.indirect.scatter.add.f32 [tilespmem:s31], [sflag:$0x3], $0x1, s8, s28, $0xb8;
	[tilespmem:$0x1EB00] =	vst v63  }
0xed: {  	_ =	swait.ge [sflag:s9], $0x7D  }
0xee: {  	s10 =	simm.s32 $0x27;
	[sflag:s9] =	ssyncset.done $0x0  }
.LBB2_10:
0xef: {  	p1 =	sne.s32 s10, $0x1;
	s10 =	sadd.s32 $0xFFFFFFFF, s10;
	[sflag:s9] =	ssyncadd.s32 $0xFFFFFF83  }
.Ltmp4:
0xf0: {  	(pc) =	sbr.rel @p1 .LBB2_10-.Ltmp4, $3  }
0xf1: {  	_ =	sdelay $0x1  }
0xf2: {  	_ =	swait.ge [sflag:s9], $0x7D  }
0xf3: {  	[sflag:s9] =	ssyncset.done $0x0  }
0xf4: {  	s10 =	stileid.u32  }
0xf5: {  	[sflag:s9] =	ssyncadd.s32 $0xFFFFFF83;
	s10 =	sshll.u32 s10, $0x6  }
0xf6: {  	s11 =	sshrl.u32 s6, $0x3;
	[bflag:$0x0] =	sbarrier.arrive $0xFFFF;
	s10 =	sor.u32 $0x1C04, s10  }
0xf7: {  	[hbm:s20], [sflag:s10] =	dma.local [spmem:s11], $0x2800  }
0xf8: {  	s12 =	simm.s32 @!p0 $0x1;
	s13 =	simm.s32 @!p0 $0x20;
	_ =	swait.ge [sflag:s24], $0x2800  }
0xf9: {  	s14 =	simm.s32 @!p0 $0x10;
	s5 =	sadd.s32 $0x1, s5;
	[sflag:s24] =	ssyncset.done $0x0  }
0xfa: {  	p1 =	sne.s32 s5, s22;
	s11 =	sshrl.u32 @!p0 s4, $0x3;
	[sflag:s24] =	ssyncadd.s32 $0xFFFFD800  }
0xfb: {  	[hbm:s21@s13], [sflag:s10] =	dma.strided @!p0 [spmem:s11@s14], $0x500, s12, $0x10   }
.Ltmp5:
0xfc: {  	_ = 	snop;
	(pc) =	sbr.rel @p1 .LBB2_1-.Ltmp5, $4  }
0xfd: {  	s10 =	simm.s32 @!p0 $0x4  }
0xfe: {  	_ =	swait.ge @!p0 [sflag:s10], $0x500  }
0xff: {  	[sflag:s10] =	ssyncset.done @!p0 $0x0  }
0x100: {  	[sflag:s10] =	ssyncadd.s32 @!p0 $0xFFFFFB00  }
0x101: {  	_ =	sfence.sel $0x180000  }
0x102: {  	[bflag:$0x0] =	sbarrier.arrive $0xFFFF  }
0x103: {  	_ =	strace $0x90000047  }
0x104: {  	[bflag:$0x2] =	sbarrier.arrive $0xFFFF  }
0x105: {  	s0 =	rddreg [dreg:$0x4]  }
0x106: {  	s0 =	sadd.s32 @!p0 $0x100000, s0  }
0x107: {  	[sflag:s0] =	ssyncadd.tile.s32 @!p0 $0x1;
	_ =	shalt  }
.Lfunc_end2:
_tile_overlayer_lowered:
.L_overlay_start_2:
0x108: {  	(tag) =	ssettag $0x2  }
0x109: {  	s0 =	rddreg [dreg:$0x0];
	s2 =	stileid.u32  }
0x10a: {  	s1 =	rddreg [dreg:$0x1];
	p0 =	sne.s32 s2, $0x0  }
0x10b: {  	s3 =	rddreg [dreg:$0x2];
	[bflag:$0x3] =	sbarrier.arrive $0xFFFF;
	s2 =	simm.s32 @!p0 $0x1C04  }
0x10c: {  	[timem:s3], [sflag:s2] =	dma.local @!p0 [hbm:s0], s1  }
0x10d: {  	s0 =	simm.s32 @!p0 $0x4  }
0x10e: {  	_ =	swait.ge @!p0 [sflag:s0], s1  }
0x10f: {  	s1 =	ssub.s32 @!p0 $0x0, s1;
	[sflag:s0] =	ssyncset.done @!p0 $0x0  }
0x110: {  	[sflag:s0] =	ssyncadd.s32 @!p0 s1  }
0x111: {  	[bflag:$0x3] =	sbarrier.arrive $0xFFFF  }
0x112: {  	_ =	shalt  }

</sc_bundles>
